<compile_context>
chip_gen: v7x
topology: tpu7x:2x2x1
jax: 0.10.2.dev20260603
libtpu: 0.0.44.dev20260713+nightly
codegen_flags: <defaults>
</compile_context>

<pallas_src>
import functools

import jax
import jax.numpy as jnp
from jax import lax
from jax.experimental import pallas as pl
from jax.experimental.pallas import tpu as pltpu
from jax.experimental.pallas import tpu_sc as plsc

N = 10000
D = 128
E = 320000
NC, NS = 2, 16
NW = NC * NS
BLK = 128
BPT = (E + NW * BLK - 1) // (NW * BLK)
E_PAD = NW * BLK * BPT
EPT = E_PAD // NW
NPAD = 10240
RPS = NPAD // NS
ROWB = 1024

@functools.cache
def _build_sc_kernels():
    mesh = plsc.VectorSubcoreMesh(
        core_axis_name="c", subcore_axis_name="s",
        num_cores=NC, num_subcores=NS,
    )

    @functools.partial(
        pl.kernel,
        out_type=jax.ShapeDtypeStruct((NW, NPAD), jnp.float32),
        mesh=mesh,
        scratch_types=[
            pltpu.VMEM((NPAD,), jnp.float32),
            pltpu.VMEM((EPT,), jnp.int32),
        ],
        compiler_params=pltpu.CompilerParams(needs_layout_passes=False),
    )
    def sc_degree(dst_hbm, zflat_hbm, degp_hbm, degloc, dstall):
        wid = lax.axis_index("c") * NS + lax.axis_index("s")
        one16 = jnp.ones((16,), jnp.float32)

        pltpu.sync_copy(zflat_hbm, degloc)
        pltpu.sync_copy(dst_hbm.at[pl.ds(wid * EPT, EPT)], dstall)

        @pl.loop(0, EPT // 16)
        def _hist(i):
            idx = dstall[pl.ds(i * 16, 16)]
            plsc.addupdate_scatter(degloc, [idx], one16)

        pltpu.sync_copy(degloc, degp_hbm.at[wid])

    @functools.partial(
        pl.kernel,
        out_type=jax.ShapeDtypeStruct((NC * NPAD, D), jnp.float32),
        mesh=mesh,
        scratch_types=[
            pltpu.VMEM_SHARED((NPAD, D), jnp.float32),
            pltpu.VMEM((BLK, D), jnp.float32),
            pltpu.VMEM((BLK,), jnp.int32),
            pltpu.VMEM((BLK,), jnp.int32),
            pltpu.SemaphoreType.DMA,
        ],
        compiler_params=pltpu.CompilerParams(needs_layout_passes=False),
    )
    def sc_scatter(hp_hbm, src_hbm, dst_hbm, zrows_hbm, parts_hbm,
                   acc, rows0, srcbuf, dstbuf, sem0):
        c = lax.axis_index("c")
        s = lax.axis_index("s")
        wid = c * NS + s

        pltpu.sync_copy(zrows_hbm, rows0)
        for k in range(RPS // BLK):
            pltpu.sync_copy(rows0, acc.at[pl.ds(s * RPS + k * BLK, BLK)])
        plsc.subcore_barrier()

        @pl.loop(0, BPT)
        def _blk(j):
            base = (wid * BPT + j) * BLK
            pltpu.sync_copy(src_hbm.at[pl.ds(base, BLK)], srcbuf)
            pltpu.sync_copy(dst_hbm.at[pl.ds(base, BLK)], dstbuf)
            pltpu.async_copy(hp_hbm.at[srcbuf], rows0, sem0).wait()
            pltpu.sync_copy(rows0, acc.at[dstbuf], add=True)
        plsc.subcore_barrier()

        for k in range(RPS // BLK):
            r = s * RPS + k * BLK
            pltpu.sync_copy(acc.at[pl.ds(r, BLK)], rows0)
            pltpu.sync_copy(rows0, parts_hbm.at[pl.ds(c * NPAD + r, BLK)])

    return sc_degree, sc_scatter


def _prep_body(x_ref, w_ref, degp_ref, h_ref, dinv_ref):
    deg = jnp.sum(degp_ref[...], axis=0) + 1.0
    dinv = lax.rsqrt(deg)
    h = jnp.dot(x_ref[...], w_ref[...], preferred_element_type=jnp.float32)
    h_ref[...] = h * dinv[:, None]
    dinv_ref[...] = dinv[:, None]


def _mid_body(p_ref, hp_ref, dinv_ref, b_ref, w_ref, o_ref):
    s = p_ref[0] + p_ref[1] + hp_ref[...]
    pre = s * dinv_ref[...] + b_ref[...]
    h = jnp.maximum(pre, 0.0)
    o_ref[...] = (
        jnp.dot(h, w_ref[...], preferred_element_type=jnp.float32)
        * dinv_ref[...]
    )


def _fin_body(p_ref, hp_ref, dinv_ref, b_ref, o_ref):
    s = p_ref[0] + p_ref[1] + hp_ref[...]
    o_ref[...] = s * dinv_ref[...] + b_ref[...]


_GRID = (NPAD // ROWB,)
_row_spec = pl.BlockSpec((ROWB, D), lambda i: (i, 0))
_dinv_spec = pl.BlockSpec((ROWB, 1), lambda i: (i, 0))
_w_spec = pl.BlockSpec((D, D), lambda i: (0, 0))
_b_spec = pl.BlockSpec((1, D), lambda i: (0, 0))
_degp_spec = pl.BlockSpec((NW, ROWB), lambda i: (0, i))
_parts_spec = pl.BlockSpec((2, ROWB, D), lambda i: (0, i, 0))

_prep = pl.pallas_call(
    _prep_body,
    grid=_GRID,
    in_specs=[_row_spec, _w_spec, _degp_spec],
    out_specs=[_row_spec, _dinv_spec],
    out_shape=[
        jax.ShapeDtypeStruct((NPAD, D), jnp.float32),
        jax.ShapeDtypeStruct((NPAD, 1), jnp.float32),
    ],
)

_mid = pl.pallas_call(
    _mid_body,
    grid=_GRID,
    in_specs=[_parts_spec, _row_spec, _dinv_spec, _b_spec, _w_spec],
    out_specs=_row_spec,
    out_shape=jax.ShapeDtypeStruct((NPAD, D), jnp.float32),
)

_fin = pl.pallas_call(
    _fin_body,
    grid=_GRID,
    in_specs=[_parts_spec, _row_spec, _dinv_spec, _b_spec],
    out_specs=_row_spec,
    out_shape=jax.ShapeDtypeStruct((NPAD, D), jnp.float32),
)


@jax.jit
def kernel(x, edge_index, W1, b1, W2, b2):
    _sc_degree, _sc_scatter = _build_sc_kernels()
    src = edge_index[0].astype(jnp.int32)
    dst = edge_index[1].astype(jnp.int32)
    pad = E_PAD - E
    src_p = jnp.concatenate([src, jnp.zeros((pad,), jnp.int32)])
    dst_p = jnp.concatenate([dst, jnp.full((pad,), N, jnp.int32)])
    zrows = jnp.zeros((BLK, D), jnp.float32)
    zflat = jnp.zeros((NPAD,), jnp.float32)
    b1r = b1.reshape(1, D)
    b2r = b2.reshape(1, D)
    x_p = jnp.pad(x, ((0, NPAD - N), (0, 0)))

    degp = _sc_degree(dst_p, zflat)
    h1p, dinv = _prep(x_p, W1, degp)
    parts1 = _sc_scatter(h1p, src_p, dst_p, zrows)
    parts1 = parts1.reshape(NC, NPAD, D)
    h2p = _mid(parts1, h1p, dinv, b1r, W2)
    parts2 = _sc_scatter(h2p, src_p, dst_p, zrows)
    parts2 = parts2.reshape(NC, NPAD, D)
    out = _fin(parts2, h2p, dinv, b2r)
    return out[:N]

# --- scband reference (transcript-rebuilt; emitter-appended) ---
"""Pipeline reference for scband-gcn-84344567759595 (READ-ONLY COPY).

The authoritative reference and input builder live on the scoring server;
editing this copy changes nothing except your own understanding.
"""

import jax, jax.numpy as jnp
import numpy as np

N_NODES = 10000
N_EDGES = 320000
D_IN = 128
D_HID = 128


def glorot(key, shape):
    limit = jnp.sqrt(6.0 / (shape[0] + shape[1]))
    return jax.random.uniform(key, shape, dtype=jnp.float32, minval=-limit, maxval=limit)


def setup_inputs(seed: int = 0) -> dict:
    key = jax.random.key(seed)
    k_x, k_e, k_w1, k_w2 = jax.random.split(key, 4)
    x = jax.random.normal(k_x, (N_NODES, D_IN), dtype=jnp.float32)
    edge_index = jax.random.randint(k_e, (2, N_EDGES), 0, N_NODES, dtype=jnp.int64)
    W1 = glorot(k_w1, (D_IN, D_HID))
    b1 = jnp.zeros((D_HID,), dtype=jnp.float32)
    W2 = glorot(k_w2, (D_HID, D_HID))
    b2 = jnp.zeros((D_HID,), dtype=jnp.float32)
    return {"x": x, "edge_index": edge_index, "W1": W1, "b1": b1, "W2": W2, "b2": b2}


def gcn_conv(x, src, dst, W, b, num_nodes):
    # x' = D^{-1/2} (A + I) D^{-1/2} X W + b  (self-loops already appended to src/dst)
    h = x @ W
    deg = jnp.zeros((num_nodes,), dtype=jnp.float32).at[dst].add(1.0)
    dinv = jnp.where(deg > 0, 1.0 / jnp.sqrt(deg), 0.0)
    norm = dinv[src] * dinv[dst]
    msgs = h[src] * norm[:, None]
    out = jnp.zeros((num_nodes, h.shape[1]), dtype=h.dtype).at[dst].add(msgs)
    return out + b


def reference(x, edge_index, W1, b1, W2, b2):
    num_nodes = x.shape[0]
    loop = jnp.arange(num_nodes, dtype=edge_index.dtype)
    src = jnp.concatenate([edge_index[0], loop])
    dst = jnp.concatenate([edge_index[1], loop])
    h = gcn_conv(x, src, dst, W1, b1, num_nodes)
    h = jax.nn.relu(h)
    out = gcn_conv(h, src, dst, W2, b2, num_nodes)
    return out

if __name__ == "__main__":
    import jax
    _d = setup_inputs()
    print(jax.jit(kernel)(*tuple(_d.values())))

</pallas_src>

<mosaic_0001>
#map = affine_map<(d0, d1) -> (0)>
#map1 = affine_map<(d0, d1) -> (0, 0)>
module attributes {stable_mosaic.version = 14 : i64} {
  func.func @sc_degree(%arg0: i32, %arg1: i32, %arg2: memref<323584xi32, #tpu.memory_space<hbm>>, %arg3: memref<10240xf32, #tpu.memory_space<hbm>>, %arg4: memref<32x10240xf32, #tpu.memory_space<hbm>>, %arg5: memref<10240xf32, #tpu.memory_space<vmem>>, %arg6: memref<10112xi32, #tpu.memory_space<vmem>>) attributes {dimension_semantics = [#tpu.dimension_semantics<core_parallel>, #tpu.dimension_semantics<subcore_parallel>], iteration_bounds = array<i64: 2, 16>, scalar_prefetch = 0 : i64, scratch_operands = 2 : i64, tpu.core_type = #tpu.core_type<sc_vector_subcore>, window_params = [{transform_indices = #map}, {transform_indices = #map}, {transform_indices = #map1}]} {
    %mul3A = arith.constant 16 : i32
    %mul3A_0 = arith.muli %arg0, %mul3A : i32
    %add3A = arith.addi %mul3A_0, %arg1 : i32
    %broadcast_in_dim3A = arith.constant 1.000000e+00 : f32
    %broadcast_in_dim3A_1 = vector.broadcast %broadcast_in_dim3A : f32 to vector<16xf32>
    "tpu.region"() ({
      %run_scoped3A = tpu.sem_alloc : memref<!tpu.dma_semaphore, #tpu.memory_space<semaphore_mem>>
      tpu.enqueue_dma source(%arg3 : memref<10240xf32, #tpu.memory_space<hbm>>) target(%arg5 : memref<10240xf32, #tpu.memory_space<vmem>>) target_semaphore(%run_scoped3A : memref<!tpu.dma_semaphore, #tpu.memory_space<semaphore_mem>>)
      tpu.wait_dma2 semaphore(%run_scoped3A : memref<!tpu.dma_semaphore, #tpu.memory_space<semaphore_mem>>) src(%arg3 : memref<10240xf32, #tpu.memory_space<hbm>>) dst(%arg5 : memref<10240xf32, #tpu.memory_space<vmem>>)
      tpu.yield
    }) : () -> ()
    %mul3A_2 = arith.constant 10112 : i32
    %mul3A_3 = arith.muli %add3A, %mul3A_2 : i32
    "tpu.region"() ({
      %run_scoped3A = tpu.sem_alloc : memref<!tpu.dma_semaphore, #tpu.memory_space<semaphore_mem>>
      %dma_start3A = tpu.memref_slice %arg2[%mul3A_3] : memref<323584xi32, #tpu.memory_space<hbm>> -> memref<10112xi32, #tpu.memory_space<hbm>>
      %dma_start3A_8 = tpu.memref_slice %arg2[%mul3A_3] : memref<323584xi32, #tpu.memory_space<hbm>> -> memref<10112xi32, #tpu.memory_space<hbm>>
      tpu.enqueue_dma source(%dma_start3A_8 : memref<10112xi32, #tpu.memory_space<hbm>>) target(%arg6 : memref<10112xi32, #tpu.memory_space<vmem>>) target_semaphore(%run_scoped3A : memref<!tpu.dma_semaphore, #tpu.memory_space<semaphore_mem>>)
      %dma_wait3A = tpu.memref_slice %arg2[%mul3A_3] : memref<323584xi32, #tpu.memory_space<hbm>> -> memref<10112xi32, #tpu.memory_space<hbm>>
      %dma_wait3A_9 = tpu.memref_slice %arg2[%mul3A_3] : memref<323584xi32, #tpu.memory_space<hbm>> -> memref<10112xi32, #tpu.memory_space<hbm>>
      tpu.wait_dma2 semaphore(%run_scoped3A : memref<!tpu.dma_semaphore, #tpu.memory_space<semaphore_mem>>) src(%dma_wait3A_9 : memref<10112xi32, #tpu.memory_space<hbm>>) dst(%arg6 : memref<10112xi32, #tpu.memory_space<vmem>>)
      tpu.yield
    }) : () -> ()
    %scan3A = arith.constant 0 : i32
    %scan3A_4 = arith.constant 632 : i32
    %scan3A_5 = arith.addi %scan3A, %scan3A_4 : i32
    %scan3A_6 = arith.constant 1 : i32
    scf.for %scan3A_8 = %scan3A to %scan3A_5 step %scan3A_6  : i32 {
      %mul3A_9 = arith.constant 1 : i32
      %mul3A_10 = arith.muli %scan3A_8, %mul3A_9 : i32
      %add3A_11 = arith.constant 0 : i32
      %add3A_12 = arith.addi %add3A_11, %mul3A_10 : i32
      %mul3A_13 = arith.constant 16 : i32
      %mul3A_14 = arith.muli %add3A_12, %mul3A_13 : i32
      %get3A = arith.index_cast %mul3A_14 : i32 to index
      %get3A_15 = tpu.vector_load %arg6[%get3A] {strides = array<i32>} : memref<10112xi32, #tpu.memory_space<vmem>>, vector<16xi32>,
      tpu.vector_store_idx %arg5[%get3A_15], %broadcast_in_dim3A_1 {add = true} : memref<10240xf32, #tpu.memory_space<vmem>>[vector<16xi32>], vector<16xf32>,
    }
    %scan3A_7 = arith.constant 632 : i32
    "tpu.region"() ({
      %run_scoped3A = tpu.sem_alloc : memref<!tpu.dma_semaphore, #tpu.memory_space<semaphore_mem>>
      %dma_start3A = arith.constant 0 : i32
      %dma_start3A_8 = tpu.memref_slice %arg4[%add3A, %dma_start3A] : memref<32x10240xf32, #tpu.memory_space<hbm>> -> memref<1x10240xf32, #tpu.memory_space<hbm>>
      %dma_start3A_9 = tpu.memref_squeeze %dma_start3A_8 : memref<1x10240xf32, #tpu.memory_space<hbm>> -> memref<10240xf32, #tpu.memory_space<hbm>>
      %dma_start3A_10 = arith.constant 0 : i32
      %dma_start3A_11 = tpu.memref_slice %arg4[%add3A, %dma_start3A_10] : memref<32x10240xf32, #tpu.memory_space<hbm>> -> memref<1x10240xf32, #tpu.memory_space<hbm>>
      %dma_start3A_12 = tpu.memref_squeeze %dma_start3A_11 : memref<1x10240xf32, #tpu.memory_space<hbm>> -> memref<10240xf32, #tpu.memory_space<hbm>>
      tpu.enqueue_dma source(%arg5 : memref<10240xf32, #tpu.memory_space<vmem>>) target(%dma_start3A_12 : memref<10240xf32, #tpu.memory_space<hbm>>) target_semaphore(%run_scoped3A : memref<!tpu.dma_semaphore, #tpu.memory_space<semaphore_mem>>)
      %dma_wait3A = arith.constant 0 : i32
      %dma_wait3A_13 = tpu.memref_slice %arg4[%add3A, %dma_wait3A] : memref<32x10240xf32, #tpu.memory_space<hbm>> -> memref<1x10240xf32, #tpu.memory_space<hbm>>
      %dma_wait3A_14 = tpu.memref_squeeze %dma_wait3A_13 : memref<1x10240xf32, #tpu.memory_space<hbm>> -> memref<10240xf32, #tpu.memory_space<hbm>>
      %dma_wait3A_15 = arith.constant 0 : i32
      %dma_wait3A_16 = tpu.memref_slice %arg4[%add3A, %dma_wait3A_15] : memref<32x10240xf32, #tpu.memory_space<hbm>> -> memref<1x10240xf32, #tpu.memory_space<hbm>>
      %dma_wait3A_17 = tpu.memref_squeeze %dma_wait3A_16 : memref<1x10240xf32, #tpu.memory_space<hbm>> -> memref<10240xf32, #tpu.memory_space<hbm>>
      tpu.wait_dma2 semaphore(%run_scoped3A : memref<!tpu.dma_semaphore, #tpu.memory_space<semaphore_mem>>) src(%arg5 : memref<10240xf32, #tpu.memory_space<vmem>>) dst(%dma_wait3A_17 : memref<10240xf32, #tpu.memory_space<hbm>>)
      tpu.yield
    }) : () -> ()
    return
  }
}

#map = affine_map<(d0, d1) -> (0, 0)>
#map1 = affine_map<(d0, d1) -> (0)>
module attributes {stable_mosaic.version = 14 : i64} {
  func.func @sc_scatter(%arg0: i32, %arg1: i32, %arg2: memref<10240x128xf32, #tpu.memory_space<hbm>>, %arg3: memref<323584xi32, #tpu.memory_space<hbm>>, %arg4: memref<323584xi32, #tpu.memory_space<hbm>>, %arg5: memref<128x128xf32, #tpu.memory_space<hbm>>, %arg6: memref<20480x128xf32, #tpu.memory_space<hbm>>, %arg7: memref<10240x128xf32, #tpu.memory_space<vmem_shared>>, %arg8: memref<128x128xf32, #tpu.memory_space<vmem>>, %arg9: memref<128xi32, #tpu.memory_space<vmem>>, %arg10: memref<128xi32, #tpu.memory_space<vmem>>, %arg11: memref<!tpu.dma_semaphore, #tpu.memory_space<semaphore_mem>>) attributes {dimension_semantics = [#tpu.dimension_semantics<core_parallel>, #tpu.dimension_semantics<subcore_parallel>], iteration_bounds = array<i64: 2, 16>, scalar_prefetch = 0 : i64, scratch_operands = 5 : i64, tpu.core_type = #tpu.core_type<sc_vector_subcore>, window_params = [{transform_indices = #map}, {transform_indices = #map1}, {transform_indices = #map1}, {transform_indices = #map}, {transform_indices = #map}]} {
    %mul3A = arith.constant 16 : i32
    %mul3A_0 = arith.muli %arg0, %mul3A : i32
    %add3A = arith.addi %mul3A_0, %arg1 : i32
    "tpu.region"() ({
      %run_scoped3A = tpu.sem_alloc : memref<!tpu.dma_semaphore, #tpu.memory_space<semaphore_mem>>
      tpu.enqueue_dma source(%arg5 : memref<128x128xf32, #tpu.memory_space<hbm>>) target(%arg8 : memref<128x128xf32, #tpu.memory_space<vmem>>) target_semaphore(%run_scoped3A : memref<!tpu.dma_semaphore, #tpu.memory_space<semaphore_mem>>)
      tpu.wait_dma2 semaphore(%run_scoped3A : memref<!tpu.dma_semaphore, #tpu.memory_space<semaphore_mem>>) src(%arg5 : memref<128x128xf32, #tpu.memory_space<hbm>>) dst(%arg8 : memref<128x128xf32, #tpu.memory_space<vmem>>)
      tpu.yield
    }) : () -> ()
    %mul3A_1 = arith.constant 640 : i32
    %mul3A_2 = arith.muli %arg1, %mul3A_1 : i32
    %add3A_3 = arith.constant 0 : i32
    %add3A_4 = arith.addi %mul3A_2, %add3A_3 : i32
    "tpu.region"() ({
      %run_scoped3A = tpu.sem_alloc : memref<!tpu.dma_semaphore, #tpu.memory_space<semaphore_mem>>
      %dma_start3A = arith.constant 0 : i32
      %dma_start3A_61 = tpu.memref_slice %arg7[%add3A_4, %dma_start3A] : memref<10240x128xf32, #tpu.memory_space<vmem_shared>> -> memref<128x128xf32, #tpu.memory_space<vmem_shared>>
      %dma_start3A_62 = arith.constant 0 : i32
      %dma_start3A_63 = tpu.memref_slice %arg7[%add3A_4, %dma_start3A_62] : memref<10240x128xf32, #tpu.memory_space<vmem_shared>> -> memref<128x128xf32, #tpu.memory_space<vmem_shared>>
      tpu.enqueue_dma source(%arg8 : memref<128x128xf32, #tpu.memory_space<vmem>>) target(%dma_start3A_63 : memref<128x128xf32, #tpu.memory_space<vmem_shared>>) target_semaphore(%run_scoped3A : memref<!tpu.dma_semaphore, #tpu.memory_space<semaphore_mem>>)
      %dma_wait3A = arith.constant 0 : i32
      %dma_wait3A_64 = tpu.memref_slice %arg7[%add3A_4, %dma_wait3A] : memref<10240x128xf32, #tpu.memory_space<vmem_shared>> -> memref<128x128xf32, #tpu.memory_space<vmem_shared>>
      %dma_wait3A_65 = arith.constant 0 : i32
      %dma_wait3A_66 = tpu.memref_slice %arg7[%add3A_4, %dma_wait3A_65] : memref<10240x128xf32, #tpu.memory_space<vmem_shared>> -> memref<128x128xf32, #tpu.memory_space<vmem_shared>>
      tpu.wait_dma2 semaphore(%run_scoped3A : memref<!tpu.dma_semaphore, #tpu.memory_space<semaphore_mem>>) src(%arg8 : memref<128x128xf32, #tpu.memory_space<vmem>>) dst(%dma_wait3A_66 : memref<128x128xf32, #tpu.memory_space<vmem_shared>>)
      tpu.yield
    }) : () -> ()
    %mul3A_5 = arith.constant 640 : i32
    %mul3A_6 = arith.muli %arg1, %mul3A_5 : i32
    %add3A_7 = arith.constant 128 : i32
    %add3A_8 = arith.addi %mul3A_6, %add3A_7 : i32
    "tpu.region"() ({
      %run_scoped3A = tpu.sem_alloc : memref<!tpu.dma_semaphore, #tpu.memory_space<semaphore_mem>>
      %dma_start3A = arith.constant 0 : i32
      %dma_start3A_61 = tpu.memref_slice %arg7[%add3A_8, %dma_start3A] : memref<10240x128xf32, #tpu.memory_space<vmem_shared>> -> memref<128x128xf32, #tpu.memory_space<vmem_shared>>
      %dma_start3A_62 = arith.constant 0 : i32
      %dma_start3A_63 = tpu.memref_slice %arg7[%add3A_8, %dma_start3A_62] : memref<10240x128xf32, #tpu.memory_space<vmem_shared>> -> memref<128x128xf32, #tpu.memory_space<vmem_shared>>
      tpu.enqueue_dma source(%arg8 : memref<128x128xf32, #tpu.memory_space<vmem>>) target(%dma_start3A_63 : memref<128x128xf32, #tpu.memory_space<vmem_shared>>) target_semaphore(%run_scoped3A : memref<!tpu.dma_semaphore, #tpu.memory_space<semaphore_mem>>)
      %dma_wait3A = arith.constant 0 : i32
      %dma_wait3A_64 = tpu.memref_slice %arg7[%add3A_8, %dma_wait3A] : memref<10240x128xf32, #tpu.memory_space<vmem_shared>> -> memref<128x128xf32, #tpu.memory_space<vmem_shared>>
      %dma_wait3A_65 = arith.constant 0 : i32
      %dma_wait3A_66 = tpu.memref_slice %arg7[%add3A_8, %dma_wait3A_65] : memref<10240x128xf32, #tpu.memory_space<vmem_shared>> -> memref<128x128xf32, #tpu.memory_space<vmem_shared>>
      tpu.wait_dma2 semaphore(%run_scoped3A : memref<!tpu.dma_semaphore, #tpu.memory_space<semaphore_mem>>) src(%arg8 : memref<128x128xf32, #tpu.memory_space<vmem>>) dst(%dma_wait3A_66 : memref<128x128xf32, #tpu.memory_space<vmem_shared>>)
      tpu.yield
    }) : () -> ()
    %mul3A_9 = arith.constant 640 : i32
    %mul3A_10 = arith.muli %arg1, %mul3A_9 : i32
    %add3A_11 = arith.constant 256 : i32
    %add3A_12 = arith.addi %mul3A_10, %add3A_11 : i32
    "tpu.region"() ({
      %run_scoped3A = tpu.sem_alloc : memref<!tpu.dma_semaphore, #tpu.memory_space<semaphore_mem>>
      %dma_start3A = arith.constant 0 : i32
      %dma_start3A_61 = tpu.memref_slice %arg7[%add3A_12, %dma_start3A] : memref<10240x128xf32, #tpu.memory_space<vmem_shared>> -> memref<128x128xf32, #tpu.memory_space<vmem_shared>>
      %dma_start3A_62 = arith.constant 0 : i32
      %dma_start3A_63 = tpu.memref_slice %arg7[%add3A_12, %dma_start3A_62] : memref<10240x128xf32, #tpu.memory_space<vmem_shared>> -> memref<128x128xf32, #tpu.memory_space<vmem_shared>>
      tpu.enqueue_dma source(%arg8 : memref<128x128xf32, #tpu.memory_space<vmem>>) target(%dma_start3A_63 : memref<128x128xf32, #tpu.memory_space<vmem_shared>>) target_semaphore(%run_scoped3A : memref<!tpu.dma_semaphore, #tpu.memory_space<semaphore_mem>>)
      %dma_wait3A = arith.constant 0 : i32
      %dma_wait3A_64 = tpu.memref_slice %arg7[%add3A_12, %dma_wait3A] : memref<10240x128xf32, #tpu.memory_space<vmem_shared>> -> memref<128x128xf32, #tpu.memory_space<vmem_shared>>
      %dma_wait3A_65 = arith.constant 0 : i32
      %dma_wait3A_66 = tpu.memref_slice %arg7[%add3A_12, %dma_wait3A_65] : memref<10240x128xf32, #tpu.memory_space<vmem_shared>> -> memref<128x128xf32, #tpu.memory_space<vmem_shared>>
      tpu.wait_dma2 semaphore(%run_scoped3A : memref<!tpu.dma_semaphore, #tpu.memory_space<semaphore_mem>>) src(%arg8 : memref<128x128xf32, #tpu.memory_space<vmem>>) dst(%dma_wait3A_66 : memref<128x128xf32, #tpu.memory_space<vmem_shared>>)
      tpu.yield
    }) : () -> ()
    %mul3A_13 = arith.constant 640 : i32
    %mul3A_14 = arith.muli %arg1, %mul3A_13 : i32
    %add3A_15 = arith.constant 384 : i32
    %add3A_16 = arith.addi %mul3A_14, %add3A_15 : i32
    "tpu.region"() ({
      %run_scoped3A = tpu.sem_alloc : memref<!tpu.dma_semaphore, #tpu.memory_space<semaphore_mem>>
      %dma_start3A = arith.constant 0 : i32
      %dma_start3A_61 = tpu.memref_slice %arg7[%add3A_16, %dma_start3A] : memref<10240x128xf32, #tpu.memory_space<vmem_shared>> -> memref<128x128xf32, #tpu.memory_space<vmem_shared>>
      %dma_start3A_62 = arith.constant 0 : i32
      %dma_start3A_63 = tpu.memref_slice %arg7[%add3A_16, %dma_start3A_62] : memref<10240x128xf32, #tpu.memory_space<vmem_shared>> -> memref<128x128xf32, #tpu.memory_space<vmem_shared>>
      tpu.enqueue_dma source(%arg8 : memref<128x128xf32, #tpu.memory_space<vmem>>) target(%dma_start3A_63 : memref<128x128xf32, #tpu.memory_space<vmem_shared>>) target_semaphore(%run_scoped3A : memref<!tpu.dma_semaphore, #tpu.memory_space<semaphore_mem>>)
      %dma_wait3A = arith.constant 0 : i32
      %dma_wait3A_64 = tpu.memref_slice %arg7[%add3A_16, %dma_wait3A] : memref<10240x128xf32, #tpu.memory_space<vmem_shared>> -> memref<128x128xf32, #tpu.memory_space<vmem_shared>>
      %dma_wait3A_65 = arith.constant 0 : i32
      %dma_wait3A_66 = tpu.memref_slice %arg7[%add3A_16, %dma_wait3A_65] : memref<10240x128xf32, #tpu.memory_space<vmem_shared>> -> memref<128x128xf32, #tpu.memory_space<vmem_shared>>
      tpu.wait_dma2 semaphore(%run_scoped3A : memref<!tpu.dma_semaphore, #tpu.memory_space<semaphore_mem>>) src(%arg8 : memref<128x128xf32, #tpu.memory_space<vmem>>) dst(%dma_wait3A_66 : memref<128x128xf32, #tpu.memory_space<vmem_shared>>)
      tpu.yield
    }) : () -> ()
    %mul3A_17 = arith.constant 640 : i32
    %mul3A_18 = arith.muli %arg1, %mul3A_17 : i32
    %add3A_19 = arith.constant 512 : i32
    %add3A_20 = arith.addi %mul3A_18, %add3A_19 : i32
    "tpu.region"() ({
      %run_scoped3A = tpu.sem_alloc : memref<!tpu.dma_semaphore, #tpu.memory_space<semaphore_mem>>
      %dma_start3A = arith.constant 0 : i32
      %dma_start3A_61 = tpu.memref_slice %arg7[%add3A_20, %dma_start3A] : memref<10240x128xf32, #tpu.memory_space<vmem_shared>> -> memref<128x128xf32, #tpu.memory_space<vmem_shared>>
      %dma_start3A_62 = arith.constant 0 : i32
      %dma_start3A_63 = tpu.memref_slice %arg7[%add3A_20, %dma_start3A_62] : memref<10240x128xf32, #tpu.memory_space<vmem_shared>> -> memref<128x128xf32, #tpu.memory_space<vmem_shared>>
      tpu.enqueue_dma source(%arg8 : memref<128x128xf32, #tpu.memory_space<vmem>>) target(%dma_start3A_63 : memref<128x128xf32, #tpu.memory_space<vmem_shared>>) target_semaphore(%run_scoped3A : memref<!tpu.dma_semaphore, #tpu.memory_space<semaphore_mem>>)
      %dma_wait3A = arith.constant 0 : i32
      %dma_wait3A_64 = tpu.memref_slice %arg7[%add3A_20, %dma_wait3A] : memref<10240x128xf32, #tpu.memory_space<vmem_shared>> -> memref<128x128xf32, #tpu.memory_space<vmem_shared>>
      %dma_wait3A_65 = arith.constant 0 : i32
      %dma_wait3A_66 = tpu.memref_slice %arg7[%add3A_20, %dma_wait3A_65] : memref<10240x128xf32, #tpu.memory_space<vmem_shared>> -> memref<128x128xf32, #tpu.memory_space<vmem_shared>>
      tpu.wait_dma2 semaphore(%run_scoped3A : memref<!tpu.dma_semaphore, #tpu.memory_space<semaphore_mem>>) src(%arg8 : memref<128x128xf32, #tpu.memory_space<vmem>>) dst(%dma_wait3A_66 : memref<128x128xf32, #tpu.memory_space<vmem_shared>>)
      tpu.yield
    }) : () -> ()
    %barrier3A = arith.constant 0 : index
    tpu.barrier barrier_id(%barrier3A)
    %scan3A = arith.constant 0 : i32
    %scan3A_21 = arith.constant 79 : i32
    %scan3A_22 = arith.addi %scan3A, %scan3A_21 : i32
    %scan3A_23 = arith.constant 1 : i32
    scf.for %scan3A_61 = %scan3A to %scan3A_22 step %scan3A_23  : i32 {
      %mul3A_62 = arith.constant 1 : i32
      %mul3A_63 = arith.muli %scan3A_61, %mul3A_62 : i32
      %add3A_64 = arith.constant 0 : i32
      %add3A_65 = arith.addi %add3A_64, %mul3A_63 : i32
      %mul3A_66 = arith.constant 79 : i32
      %mul3A_67 = arith.muli %add3A, %mul3A_66 : i32
      %add3A_68 = arith.addi %mul3A_67, %add3A_65 : i32
      %mul3A_69 = arith.constant 128 : i32
      %mul3A_70 = arith.muli %add3A_68, %mul3A_69 : i32
      "tpu.region"() ({
        %run_scoped3A = tpu.sem_alloc : memref<!tpu.dma_semaphore, #tpu.memory_space<semaphore_mem>>
        %dma_start3A_75 = tpu.memref_slice %arg3[%mul3A_70] : memref<323584xi32, #tpu.memory_space<hbm>> -> memref<128xi32, #tpu.memory_space<hbm>>
        %dma_start3A_76 = tpu.memref_slice %arg3[%mul3A_70] : memref<323584xi32, #tpu.memory_space<hbm>> -> memref<128xi32, #tpu.memory_space<hbm>>
        tpu.enqueue_dma source(%dma_start3A_76 : memref<128xi32, #tpu.memory_space<hbm>>) target(%arg9 : memref<128xi32, #tpu.memory_space<vmem>>) target_semaphore(%run_scoped3A : memref<!tpu.dma_semaphore, #tpu.memory_space<semaphore_mem>>)
        %dma_wait3A_77 = tpu.memref_slice %arg3[%mul3A_70] : memref<323584xi32, #tpu.memory_space<hbm>> -> memref<128xi32, #tpu.memory_space<hbm>>
        %dma_wait3A_78 = tpu.memref_slice %arg3[%mul3A_70] : memref<323584xi32, #tpu.memory_space<hbm>> -> memref<128xi32, #tpu.memory_space<hbm>>
        tpu.wait_dma2 semaphore(%run_scoped3A : memref<!tpu.dma_semaphore, #tpu.memory_space<semaphore_mem>>) src(%dma_wait3A_78 : memref<128xi32, #tpu.memory_space<hbm>>) dst(%arg9 : memref<128xi32, #tpu.memory_space<vmem>>)
        tpu.yield
      }) : () -> ()
      "tpu.region"() ({
        %run_scoped3A = tpu.sem_alloc : memref<!tpu.dma_semaphore, #tpu.memory_space<semaphore_mem>>
        %dma_start3A_75 = tpu.memref_slice %arg4[%mul3A_70] : memref<323584xi32, #tpu.memory_space<hbm>> -> memref<128xi32, #tpu.memory_space<hbm>>
        %dma_start3A_76 = tpu.memref_slice %arg4[%mul3A_70] : memref<323584xi32, #tpu.memory_space<hbm>> -> memref<128xi32, #tpu.memory_space<hbm>>
        tpu.enqueue_dma source(%dma_start3A_76 : memref<128xi32, #tpu.memory_space<hbm>>) target(%arg10 : memref<128xi32, #tpu.memory_space<vmem>>) target_semaphore(%run_scoped3A : memref<!tpu.dma_semaphore, #tpu.memory_space<semaphore_mem>>)
        %dma_wait3A_77 = tpu.memref_slice %arg4[%mul3A_70] : memref<323584xi32, #tpu.memory_space<hbm>> -> memref<128xi32, #tpu.memory_space<hbm>>
        %dma_wait3A_78 = tpu.memref_slice %arg4[%mul3A_70] : memref<323584xi32, #tpu.memory_space<hbm>> -> memref<128xi32, #tpu.memory_space<hbm>>
        tpu.wait_dma2 semaphore(%run_scoped3A : memref<!tpu.dma_semaphore, #tpu.memory_space<semaphore_mem>>) src(%dma_wait3A_78 : memref<128xi32, #tpu.memory_space<hbm>>) dst(%arg10 : memref<128xi32, #tpu.memory_space<vmem>>)
        tpu.yield
      }) : () -> ()
      %dma_start3A = arith.constant 0 : i32
      %dma_start3A_71 = arith.constant 0 : i32
      %dma_start3A_72 = tpu.memref_slice %arg2[%dma_start3A, %dma_start3A_71] : memref<10240x128xf32, #tpu.memory_space<hbm>> -> memref<10240x128xf32, #tpu.memory_space<hbm>>
      tpu.enqueue_indirect_dma source(%dma_start3A_72 : memref<10240x128xf32, #tpu.memory_space<hbm>>) target(%arg8 : memref<128x128xf32, #tpu.memory_space<vmem>>) offsets(%arg9 : memref<128xi32, #tpu.memory_space<vmem>>) semaphore(%arg11 : memref<!tpu.dma_semaphore, #tpu.memory_space<semaphore_mem>>)
      %dma_wait3A = arith.constant 0 : i32
      %dma_wait3A_73 = arith.constant 0 : i32
      %dma_wait3A_74 = tpu.memref_slice %arg2[%dma_wait3A, %dma_wait3A_73] : memref<10240x128xf32, #tpu.memory_space<hbm>> -> memref<10240x128xf32, #tpu.memory_space<hbm>>
      tpu.wait_indirect_dma semaphore(%arg11 : memref<!tpu.dma_semaphore, #tpu.memory_space<semaphore_mem>>) src(%dma_wait3A_74 : memref<10240x128xf32, #tpu.memory_space<hbm>>) dst(%arg8 : memref<128x128xf32, #tpu.memory_space<vmem>>)
      "tpu.region"() ({
        %run_scoped3A = tpu.sem_alloc : memref<!tpu.dma_semaphore, #tpu.memory_space<semaphore_mem>>
        %dma_start3A_75 = arith.constant 0 : i32
        %dma_start3A_76 = arith.constant 0 : i32
        %dma_start3A_77 = tpu.memref_slice %arg7[%dma_start3A_75, %dma_start3A_76] : memref<10240x128xf32, #tpu.memory_space<vmem_shared>> -> memref<10240x128xf32, #tpu.memory_space<vmem_shared>>
        tpu.enqueue_indirect_dma source(%arg8 : memref<128x128xf32, #tpu.memory_space<vmem>>) target(%dma_start3A_77 : memref<10240x128xf32, #tpu.memory_space<vmem_shared>>) offsets(%arg10 : memref<128xi32, #tpu.memory_space<vmem>>) semaphore(%run_scoped3A : memref<!tpu.dma_semaphore, #tpu.memory_space<semaphore_mem>>) {add = true}
        %dma_wait3A_78 = arith.constant 0 : i32
        %dma_wait3A_79 = arith.constant 0 : i32
        %dma_wait3A_80 = tpu.memref_slice %arg7[%dma_wait3A_78, %dma_wait3A_79] : memref<10240x128xf32, #tpu.memory_space<vmem_shared>> -> memref<10240x128xf32, #tpu.memory_space<vmem_shared>>
        tpu.wait_indirect_dma semaphore(%run_scoped3A : memref<!tpu.dma_semaphore, #tpu.memory_space<semaphore_mem>>) src(%arg8 : memref<128x128xf32, #tpu.memory_space<vmem>>) dst(%dma_wait3A_80 : memref<10240x128xf32, #tpu.memory_space<vmem_shared>>)
        tpu.yield
      }) : () -> ()
    }
    %scan3A_24 = arith.constant 79 : i32
    %barrier3A_25 = arith.constant 0 : index
    tpu.barrier barrier_id(%barrier3A_25)
    %mul3A_26 = arith.constant 640 : i32
    %mul3A_27 = arith.muli %arg1, %mul3A_26 : i32
    %add3A_28 = arith.constant 0 : i32
    %add3A_29 = arith.addi %mul3A_27, %add3A_28 : i32
    "tpu.region"() ({
      %run_scoped3A = tpu.sem_alloc : memref<!tpu.dma_semaphore, #tpu.memory_space<semaphore_mem>>
      %dma_start3A = arith.constant 0 : i32
      %dma_start3A_61 = tpu.memref_slice %arg7[%add3A_29, %dma_start3A] : memref<10240x128xf32, #tpu.memory_space<vmem_shared>> -> memref<128x128xf32, #tpu.memory_space<vmem_shared>>
      %dma_start3A_62 = arith.constant 0 : i32
      %dma_start3A_63 = tpu.memref_slice %arg7[%add3A_29, %dma_start3A_62] : memref<10240x128xf32, #tpu.memory_space<vmem_shared>> -> memref<128x128xf32, #tpu.memory_space<vmem_shared>>
      tpu.enqueue_dma source(%dma_start3A_63 : memref<128x128xf32, #tpu.memory_space<vmem_shared>>) target(%arg8 : memref<128x128xf32, #tpu.memory_space<vmem>>) target_semaphore(%run_scoped3A : memref<!tpu.dma_semaphore, #tpu.memory_space<semaphore_mem>>)
      %dma_wait3A = arith.constant 0 : i32
      %dma_wait3A_64 = tpu.memref_slice %arg7[%add3A_29, %dma_wait3A] : memref<10240x128xf32, #tpu.memory_space<vmem_shared>> -> memref<128x128xf32, #tpu.memory_space<vmem_shared>>
      %dma_wait3A_65 = arith.constant 0 : i32
      %dma_wait3A_66 = tpu.memref_slice %arg7[%add3A_29, %dma_wait3A_65] : memref<10240x128xf32, #tpu.memory_space<vmem_shared>> -> memref<128x128xf32, #tpu.memory_space<vmem_shared>>
      tpu.wait_dma2 semaphore(%run_scoped3A : memref<!tpu.dma_semaphore, #tpu.memory_space<semaphore_mem>>) src(%dma_wait3A_66 : memref<128x128xf32, #tpu.memory_space<vmem_shared>>) dst(%arg8 : memref<128x128xf32, #tpu.memory_space<vmem>>)
      tpu.yield
    }) : () -> ()
    %mul3A_30 = arith.constant 10240 : i32
    %mul3A_31 = arith.muli %arg0, %mul3A_30 : i32
    %add3A_32 = arith.addi %mul3A_31, %add3A_29 : i32
    "tpu.region"() ({
      %run_scoped3A = tpu.sem_alloc : memref<!tpu.dma_semaphore, #tpu.memory_space<semaphore_mem>>
      %dma_start3A = arith.constant 0 : i32
      %dma_start3A_61 = tpu.memref_slice %arg6[%add3A_32, %dma_start3A] : memref<20480x128xf32, #tpu.memory_space<hbm>> -> memref<128x128xf32, #tpu.memory_space<hbm>>
      %dma_start3A_62 = arith.constant 0 : i32
      %dma_start3A_63 = tpu.memref_slice %arg6[%add3A_32, %dma_start3A_62] : memref<20480x128xf32, #tpu.memory_space<hbm>> -> memref<128x128xf32, #tpu.memory_space<hbm>>
      tpu.enqueue_dma source(%arg8 : memref<128x128xf32, #tpu.memory_space<vmem>>) target(%dma_start3A_63 : memref<128x128xf32, #tpu.memory_space<hbm>>) target_semaphore(%run_scoped3A : memref<!tpu.dma_semaphore, #tpu.memory_space<semaphore_mem>>)
      %dma_wait3A = arith.constant 0 : i32
      %dma_wait3A_64 = tpu.memref_slice %arg6[%add3A_32, %dma_wait3A] : memref<20480x128xf32, #tpu.memory_space<hbm>> -> memref<128x128xf32, #tpu.memory_space<hbm>>
      %dma_wait3A_65 = arith.constant 0 : i32
      %dma_wait3A_66 = tpu.memref_slice %arg6[%add3A_32, %dma_wait3A_65] : memref<20480x128xf32, #tpu.memory_space<hbm>> -> memref<128x128xf32, #tpu.memory_space<hbm>>
      tpu.wait_dma2 semaphore(%run_scoped3A : memref<!tpu.dma_semaphore, #tpu.memory_space<semaphore_mem>>) src(%arg8 : memref<128x128xf32, #tpu.memory_space<vmem>>) dst(%dma_wait3A_66 : memref<128x128xf32, #tpu.memory_space<hbm>>)
      tpu.yield
    }) : () -> ()
    %mul3A_33 = arith.constant 640 : i32
    %mul3A_34 = arith.muli %arg1, %mul3A_33 : i32
    %add3A_35 = arith.constant 128 : i32
    %add3A_36 = arith.addi %mul3A_34, %add3A_35 : i32
    "tpu.region"() ({
      %run_scoped3A = tpu.sem_alloc : memref<!tpu.dma_semaphore, #tpu.memory_space<semaphore_mem>>
      %dma_start3A = arith.constant 0 : i32
      %dma_start3A_61 = tpu.memref_slice %arg7[%add3A_36, %dma_start3A] : memref<10240x128xf32, #tpu.memory_space<vmem_shared>> -> memref<128x128xf32, #tpu.memory_space<vmem_shared>>
      %dma_start3A_62 = arith.constant 0 : i32
      %dma_start3A_63 = tpu.memref_slice %arg7[%add3A_36, %dma_start3A_62] : memref<10240x128xf32, #tpu.memory_space<vmem_shared>> -> memref<128x128xf32, #tpu.memory_space<vmem_shared>>
      tpu.enqueue_dma source(%dma_start3A_63 : memref<128x128xf32, #tpu.memory_space<vmem_shared>>) target(%arg8 : memref<128x128xf32, #tpu.memory_space<vmem>>) target_semaphore(%run_scoped3A : memref<!tpu.dma_semaphore, #tpu.memory_space<semaphore_mem>>)
      %dma_wait3A = arith.constant 0 : i32
      %dma_wait3A_64 = tpu.memref_slice %arg7[%add3A_36, %dma_wait3A] : memref<10240x128xf32, #tpu.memory_space<vmem_shared>> -> memref<128x128xf32, #tpu.memory_space<vmem_shared>>
      %dma_wait3A_65 = arith.constant 0 : i32
      %dma_wait3A_66 = tpu.memref_slice %arg7[%add3A_36, %dma_wait3A_65] : memref<10240x128xf32, #tpu.memory_space<vmem_shared>> -> memref<128x128xf32, #tpu.memory_space<vmem_shared>>
      tpu.wait_dma2 semaphore(%run_scoped3A : memref<!tpu.dma_semaphore, #tpu.memory_space<semaphore_mem>>) src(%dma_wait3A_66 : memref<128x128xf32, #tpu.memory_space<vmem_shared>>) dst(%arg8 : memref<128x128xf32, #tpu.memory_space<vmem>>)
      tpu.yield
    }) : () -> ()
    %mul3A_37 = arith.constant 10240 : i32
    %mul3A_38 = arith.muli %arg0, %mul3A_37 : i32
    %add3A_39 = arith.addi %mul3A_38, %add3A_36 : i32
    "tpu.region"() ({
      %run_scoped3A = tpu.sem_alloc : memref<!tpu.dma_semaphore, #tpu.memory_space<semaphore_mem>>
      %dma_start3A = arith.constant 0 : i32
      %dma_start3A_61 = tpu.memref_slice %arg6[%add3A_39, %dma_start3A] : memref<20480x128xf32, #tpu.memory_space<hbm>> -> memref<128x128xf32, #tpu.memory_space<hbm>>
      %dma_start3A_62 = arith.constant 0 : i32
      %dma_start3A_63 = tpu.memref_slice %arg6[%add3A_39, %dma_start3A_62] : memref<20480x128xf32, #tpu.memory_space<hbm>> -> memref<128x128xf32, #tpu.memory_space<hbm>>
      tpu.enqueue_dma source(%arg8 : memref<128x128xf32, #tpu.memory_space<vmem>>) target(%dma_start3A_63 : memref<128x128xf32, #tpu.memory_space<hbm>>) target_semaphore(%run_scoped3A : memref<!tpu.dma_semaphore, #tpu.memory_space<semaphore_mem>>)
      %dma_wait3A = arith.constant 0 : i32
      %dma_wait3A_64 = tpu.memref_slice %arg6[%add3A_39, %dma_wait3A] : memref<20480x128xf32, #tpu.memory_space<hbm>> -> memref<128x128xf32, #tpu.memory_space<hbm>>
      %dma_wait3A_65 = arith.constant 0 : i32
      %dma_wait3A_66 = tpu.memref_slice %arg6[%add3A_39, %dma_wait3A_65] : memref<20480x128xf32, #tpu.memory_space<hbm>> -> memref<128x128xf32, #tpu.memory_space<hbm>>
      tpu.wait_dma2 semaphore(%run_scoped3A : memref<!tpu.dma_semaphore, #tpu.memory_space<semaphore_mem>>) src(%arg8 : memref<128x128xf32, #tpu.memory_space<vmem>>) dst(%dma_wait3A_66 : memref<128x128xf32, #tpu.memory_space<hbm>>)
      tpu.yield
    }) : () -> ()
    %mul3A_40 = arith.constant 640 : i32
    %mul3A_41 = arith.muli %arg1, %mul3A_40 : i32
    %add3A_42 = arith.constant 256 : i32
    %add3A_43 = arith.addi %mul3A_41, %add3A_42 : i32
    "tpu.region"() ({
      %run_scoped3A = tpu.sem_alloc : memref<!tpu.dma_semaphore, #tpu.memory_space<semaphore_mem>>
      %dma_start3A = arith.constant 0 : i32
      %dma_start3A_61 = tpu.memref_slice %arg7[%add3A_43, %dma_start3A] : memref<10240x128xf32, #tpu.memory_space<vmem_shared>> -> memref<128x128xf32, #tpu.memory_space<vmem_shared>>
      %dma_start3A_62 = arith.constant 0 : i32
      %dma_start3A_63 = tpu.memref_slice %arg7[%add3A_43, %dma_start3A_62] : memref<10240x128xf32, #tpu.memory_space<vmem_shared>> -> memref<128x128xf32, #tpu.memory_space<vmem_shared>>
      tpu.enqueue_dma source(%dma_start3A_63 : memref<128x128xf32, #tpu.memory_space<vmem_shared>>) target(%arg8 : memref<128x128xf32, #tpu.memory_space<vmem>>) target_semaphore(%run_scoped3A : memref<!tpu.dma_semaphore, #tpu.memory_space<semaphore_mem>>)
      %dma_wait3A = arith.constant 0 : i32
      %dma_wait3A_64 = tpu.memref_slice %arg7[%add3A_43, %dma_wait3A] : memref<10240x128xf32, #tpu.memory_space<vmem_shared>> -> memref<128x128xf32, #tpu.memory_space<vmem_shared>>
      %dma_wait3A_65 = arith.constant 0 : i32
      %dma_wait3A_66 = tpu.memref_slice %arg7[%add3A_43, %dma_wait3A_65] : memref<10240x128xf32, #tpu.memory_space<vmem_shared>> -> memref<128x128xf32, #tpu.memory_space<vmem_shared>>
      tpu.wait_dma2 semaphore(%run_scoped3A : memref<!tpu.dma_semaphore, #tpu.memory_space<semaphore_mem>>) src(%dma_wait3A_66 : memref<128x128xf32, #tpu.memory_space<vmem_shared>>) dst(%arg8 : memref<128x128xf32, #tpu.memory_space<vmem>>)
      tpu.yield
    }) : () -> ()
    %mul3A_44 = arith.constant 10240 : i32
    %mul3A_45 = arith.muli %arg0, %mul3A_44 : i32
    %add3A_46 = arith.addi %mul3A_45, %add3A_43 : i32
    "tpu.region"() ({
      %run_scoped3A = tpu.sem_alloc : memref<!tpu.dma_semaphore, #tpu.memory_space<semaphore_mem>>
      %dma_start3A = arith.constant 0 : i32
      %dma_start3A_61 = tpu.memref_slice %arg6[%add3A_46, %dma_start3A] : memref<20480x128xf32, #tpu.memory_space<hbm>> -> memref<128x128xf32, #tpu.memory_space<hbm>>
      %dma_start3A_62 = arith.constant 0 : i32
      %dma_start3A_63 = tpu.memref_slice %arg6[%add3A_46, %dma_start3A_62] : memref<20480x128xf32, #tpu.memory_space<hbm>> -> memref<128x128xf32, #tpu.memory_space<hbm>>
      tpu.enqueue_dma source(%arg8 : memref<128x128xf32, #tpu.memory_space<vmem>>) target(%dma_start3A_63 : memref<128x128xf32, #tpu.memory_space<hbm>>) target_semaphore(%run_scoped3A : memref<!tpu.dma_semaphore, #tpu.memory_space<semaphore_mem>>)
      %dma_wait3A = arith.constant 0 : i32
      %dma_wait3A_64 = tpu.memref_slice %arg6[%add3A_46, %dma_wait3A] : memref<20480x128xf32, #tpu.memory_space<hbm>> -> memref<128x128xf32, #tpu.memory_space<hbm>>
      %dma_wait3A_65 = arith.constant 0 : i32
      %dma_wait3A_66 = tpu.memref_slice %arg6[%add3A_46, %dma_wait3A_65] : memref<20480x128xf32, #tpu.memory_space<hbm>> -> memref<128x128xf32, #tpu.memory_space<hbm>>
      tpu.wait_dma2 semaphore(%run_scoped3A : memref<!tpu.dma_semaphore, #tpu.memory_space<semaphore_mem>>) src(%arg8 : memref<128x128xf32, #tpu.memory_space<vmem>>) dst(%dma_wait3A_66 : memref<128x128xf32, #tpu.memory_space<hbm>>)
      tpu.yield
    }) : () -> ()
    %mul3A_47 = arith.constant 640 : i32
    %mul3A_48 = arith.muli %arg1, %mul3A_47 : i32
    %add3A_49 = arith.constant 384 : i32
    %add3A_50 = arith.addi %mul3A_48, %add3A_49 : i32
    "tpu.region"() ({
      %run_scoped3A = tpu.sem_alloc : memref<!tpu.dma_semaphore, #tpu.memory_space<semaphore_mem>>
      %dma_start3A = arith.constant 0 : i32
      %dma_start3A_61 = tpu.memref_slice %arg7[%add3A_50, %dma_start3A] : memref<10240x128xf32, #tpu.memory_space<vmem_shared>> -> memref<128x128xf32, #tpu.memory_space<vmem_shared>>
      %dma_start3A_62 = arith.constant 0 : i32
      %dma_start3A_63 = tpu.memref_slice %arg7[%add3A_50, %dma_start3A_62] : memref<10240x128xf32, #tpu.memory_space<vmem_shared>> -> memref<128x128xf32, #tpu.memory_space<vmem_shared>>
      tpu.enqueue_dma source(%dma_start3A_63 : memref<128x128xf32, #tpu.memory_space<vmem_shared>>) target(%arg8 : memref<128x128xf32, #tpu.memory_space<vmem>>) target_semaphore(%run_scoped3A : memref<!tpu.dma_semaphore, #tpu.memory_space<semaphore_mem>>)
      %dma_wait3A = arith.constant 0 : i32
      %dma_wait3A_64 = tpu.memref_slice %arg7[%add3A_50, %dma_wait3A] : memref<10240x128xf32, #tpu.memory_space<vmem_shared>> -> memref<128x128xf32, #tpu.memory_space<vmem_shared>>
      %dma_wait3A_65 = arith.constant 0 : i32
      %dma_wait3A_66 = tpu.memref_slice %arg7[%add3A_50, %dma_wait3A_65] : memref<10240x128xf32, #tpu.memory_space<vmem_shared>> -> memref<128x128xf32, #tpu.memory_space<vmem_shared>>
      tpu.wait_dma2 semaphore(%run_scoped3A : memref<!tpu.dma_semaphore, #tpu.memory_space<semaphore_mem>>) src(%dma_wait3A_66 : memref<128x128xf32, #tpu.memory_space<vmem_shared>>) dst(%arg8 : memref<128x128xf32, #tpu.memory_space<vmem>>)
      tpu.yield
    }) : () -> ()
    %mul3A_51 = arith.constant 10240 : i32
    %mul3A_52 = arith.muli %arg0, %mul3A_51 : i32
    %add3A_53 = arith.addi %mul3A_52, %add3A_50 : i32
    "tpu.region"() ({
      %run_scoped3A = tpu.sem_alloc : memref<!tpu.dma_semaphore, #tpu.memory_space<semaphore_mem>>
      %dma_start3A = arith.constant 0 : i32
      %dma_start3A_61 = tpu.memref_slice %arg6[%add3A_53, %dma_start3A] : memref<20480x128xf32, #tpu.memory_space<hbm>> -> memref<128x128xf32, #tpu.memory_space<hbm>>
      %dma_start3A_62 = arith.constant 0 : i32
      %dma_start3A_63 = tpu.memref_slice %arg6[%add3A_53, %dma_start3A_62] : memref<20480x128xf32, #tpu.memory_space<hbm>> -> memref<128x128xf32, #tpu.memory_space<hbm>>
      tpu.enqueue_dma source(%arg8 : memref<128x128xf32, #tpu.memory_space<vmem>>) target(%dma_start3A_63 : memref<128x128xf32, #tpu.memory_space<hbm>>) target_semaphore(%run_scoped3A : memref<!tpu.dma_semaphore, #tpu.memory_space<semaphore_mem>>)
      %dma_wait3A = arith.constant 0 : i32
      %dma_wait3A_64 = tpu.memref_slice %arg6[%add3A_53, %dma_wait3A] : memref<20480x128xf32, #tpu.memory_space<hbm>> -> memref<128x128xf32, #tpu.memory_space<hbm>>
      %dma_wait3A_65 = arith.constant 0 : i32
      %dma_wait3A_66 = tpu.memref_slice %arg6[%add3A_53, %dma_wait3A_65] : memref<20480x128xf32, #tpu.memory_space<hbm>> -> memref<128x128xf32, #tpu.memory_space<hbm>>
      tpu.wait_dma2 semaphore(%run_scoped3A : memref<!tpu.dma_semaphore, #tpu.memory_space<semaphore_mem>>) src(%arg8 : memref<128x128xf32, #tpu.memory_space<vmem>>) dst(%dma_wait3A_66 : memref<128x128xf32, #tpu.memory_space<hbm>>)
      tpu.yield
    }) : () -> ()
    %mul3A_54 = arith.constant 640 : i32
    %mul3A_55 = arith.muli %arg1, %mul3A_54 : i32
    %add3A_56 = arith.constant 512 : i32
    %add3A_57 = arith.addi %mul3A_55, %add3A_56 : i32
    "tpu.region"() ({
      %run_scoped3A = tpu.sem_alloc : memref<!tpu.dma_semaphore, #tpu.memory_space<semaphore_mem>>
      %dma_start3A = arith.constant 0 : i32
      %dma_start3A_61 = tpu.memref_slice %arg7[%add3A_57, %dma_start3A] : memref<10240x128xf32, #tpu.memory_space<vmem_shared>> -> memref<128x128xf32, #tpu.memory_space<vmem_shared>>
      %dma_start3A_62 = arith.constant 0 : i32
      %dma_start3A_63 = tpu.memref_slice %arg7[%add3A_57, %dma_start3A_62] : memref<10240x128xf32, #tpu.memory_space<vmem_shared>> -> memref<128x128xf32, #tpu.memory_space<vmem_shared>>
      tpu.enqueue_dma source(%dma_start3A_63 : memref<128x128xf32, #tpu.memory_space<vmem_shared>>) target(%arg8 : memref<128x128xf32, #tpu.memory_space<vmem>>) target_semaphore(%run_scoped3A : memref<!tpu.dma_semaphore, #tpu.memory_space<semaphore_mem>>)
      %dma_wait3A = arith.constant 0 : i32
      %dma_wait3A_64 = tpu.memref_slice %arg7[%add3A_57, %dma_wait3A] : memref<10240x128xf32, #tpu.memory_space<vmem_shared>> -> memref<128x128xf32, #tpu.memory_space<vmem_shared>>
      %dma_wait3A_65 = arith.constant 0 : i32
      %dma_wait3A_66 = tpu.memref_slice %arg7[%add3A_57, %dma_wait3A_65] : memref<10240x128xf32, #tpu.memory_space<vmem_shared>> -> memref<128x128xf32, #tpu.memory_space<vmem_shared>>
      tpu.wait_dma2 semaphore(%run_scoped3A : memref<!tpu.dma_semaphore, #tpu.memory_space<semaphore_mem>>) src(%dma_wait3A_66 : memref<128x128xf32, #tpu.memory_space<vmem_shared>>) dst(%arg8 : memref<128x128xf32, #tpu.memory_space<vmem>>)
      tpu.yield
    }) : () -> ()
    %mul3A_58 = arith.constant 10240 : i32
    %mul3A_59 = arith.muli %arg0, %mul3A_58 : i32
    %add3A_60 = arith.addi %mul3A_59, %add3A_57 : i32
    "tpu.region"() ({
      %run_scoped3A = tpu.sem_alloc : memref<!tpu.dma_semaphore, #tpu.memory_space<semaphore_mem>>
      %dma_start3A = arith.constant 0 : i32
      %dma_start3A_61 = tpu.memref_slice %arg6[%add3A_60, %dma_start3A] : memref<20480x128xf32, #tpu.memory_space<hbm>> -> memref<128x128xf32, #tpu.memory_space<hbm>>
      %dma_start3A_62 = arith.constant 0 : i32
      %dma_start3A_63 = tpu.memref_slice %arg6[%add3A_60, %dma_start3A_62] : memref<20480x128xf32, #tpu.memory_space<hbm>> -> memref<128x128xf32, #tpu.memory_space<hbm>>
      tpu.enqueue_dma source(%arg8 : memref<128x128xf32, #tpu.memory_space<vmem>>) target(%dma_start3A_63 : memref<128x128xf32, #tpu.memory_space<hbm>>) target_semaphore(%run_scoped3A : memref<!tpu.dma_semaphore, #tpu.memory_space<semaphore_mem>>)
      %dma_wait3A = arith.constant 0 : i32
      %dma_wait3A_64 = tpu.memref_slice %arg6[%add3A_60, %dma_wait3A] : memref<20480x128xf32, #tpu.memory_space<hbm>> -> memref<128x128xf32, #tpu.memory_space<hbm>>
      %dma_wait3A_65 = arith.constant 0 : i32
      %dma_wait3A_66 = tpu.memref_slice %arg6[%add3A_60, %dma_wait3A_65] : memref<20480x128xf32, #tpu.memory_space<hbm>> -> memref<128x128xf32, #tpu.memory_space<hbm>>
      tpu.wait_dma2 semaphore(%run_scoped3A : memref<!tpu.dma_semaphore, #tpu.memory_space<semaphore_mem>>) src(%arg8 : memref<128x128xf32, #tpu.memory_space<vmem>>) dst(%dma_wait3A_66 : memref<128x128xf32, #tpu.memory_space<hbm>>)
      tpu.yield
    }) : () -> ()
    return
  }
}

#map = affine_map<(d0, d1) -> (0, 0)>
#map1 = affine_map<(d0, d1) -> (0)>
module attributes {stable_mosaic.version = 14 : i64} {
  func.func @sc_scatter(%arg0: i32, %arg1: i32, %arg2: memref<10240x128xf32, #tpu.memory_space<hbm>>, %arg3: memref<323584xi32, #tpu.memory_space<hbm>>, %arg4: memref<323584xi32, #tpu.memory_space<hbm>>, %arg5: memref<128x128xf32, #tpu.memory_space<hbm>>, %arg6: memref<20480x128xf32, #tpu.memory_space<hbm>>, %arg7: memref<10240x128xf32, #tpu.memory_space<vmem_shared>>, %arg8: memref<128x128xf32, #tpu.memory_space<vmem>>, %arg9: memref<128xi32, #tpu.memory_space<vmem>>, %arg10: memref<128xi32, #tpu.memory_space<vmem>>, %arg11: memref<!tpu.dma_semaphore, #tpu.memory_space<semaphore_mem>>) attributes {dimension_semantics = [#tpu.dimension_semantics<core_parallel>, #tpu.dimension_semantics<subcore_parallel>], iteration_bounds = array<i64: 2, 16>, scalar_prefetch = 0 : i64, scratch_operands = 5 : i64, tpu.core_type = #tpu.core_type<sc_vector_subcore>, window_params = [{transform_indices = #map}, {transform_indices = #map1}, {transform_indices = #map1}, {transform_indices = #map}, {transform_indices = #map}]} {
    %mul3A = arith.constant 16 : i32
    %mul3A_0 = arith.muli %arg0, %mul3A : i32
    %add3A = arith.addi %mul3A_0, %arg1 : i32
    "tpu.region"() ({
      %run_scoped3A = tpu.sem_alloc : memref<!tpu.dma_semaphore, #tpu.memory_space<semaphore_mem>>
      tpu.enqueue_dma source(%arg5 : memref<128x128xf32, #tpu.memory_space<hbm>>) target(%arg8 : memref<128x128xf32, #tpu.memory_space<vmem>>) target_semaphore(%run_scoped3A : memref<!tpu.dma_semaphore, #tpu.memory_space<semaphore_mem>>)
      tpu.wait_dma2 semaphore(%run_scoped3A : memref<!tpu.dma_semaphore, #tpu.memory_space<semaphore_mem>>) src(%arg5 : memref<128x128xf32, #tpu.memory_space<hbm>>) dst(%arg8 : memref<128x128xf32, #tpu.memory_space<vmem>>)
      tpu.yield
    }) : () -> ()
    %mul3A_1 = arith.constant 640 : i32
    %mul3A_2 = arith.muli %arg1, %mul3A_1 : i32
    %add3A_3 = arith.constant 0 : i32
    %add3A_4 = arith.addi %mul3A_2, %add3A_3 : i32
    "tpu.region"() ({
      %run_scoped3A = tpu.sem_alloc : memref<!tpu.dma_semaphore, #tpu.memory_space<semaphore_mem>>
      %dma_start3A = arith.constant 0 : i32
      %dma_start3A_61 = tpu.memref_slice %arg7[%add3A_4, %dma_start3A] : memref<10240x128xf32, #tpu.memory_space<vmem_shared>> -> memref<128x128xf32, #tpu.memory_space<vmem_shared>>
      %dma_start3A_62 = arith.constant 0 : i32
      %dma_start3A_63 = tpu.memref_slice %arg7[%add3A_4, %dma_start3A_62] : memref<10240x128xf32, #tpu.memory_space<vmem_shared>> -> memref<128x128xf32, #tpu.memory_space<vmem_shared>>
      tpu.enqueue_dma source(%arg8 : memref<128x128xf32, #tpu.memory_space<vmem>>) target(%dma_start3A_63 : memref<128x128xf32, #tpu.memory_space<vmem_shared>>) target_semaphore(%run_scoped3A : memref<!tpu.dma_semaphore, #tpu.memory_space<semaphore_mem>>)
      %dma_wait3A = arith.constant 0 : i32
      %dma_wait3A_64 = tpu.memref_slice %arg7[%add3A_4, %dma_wait3A] : memref<10240x128xf32, #tpu.memory_space<vmem_shared>> -> memref<128x128xf32, #tpu.memory_space<vmem_shared>>
      %dma_wait3A_65 = arith.constant 0 : i32
      %dma_wait3A_66 = tpu.memref_slice %arg7[%add3A_4, %dma_wait3A_65] : memref<10240x128xf32, #tpu.memory_space<vmem_shared>> -> memref<128x128xf32, #tpu.memory_space<vmem_shared>>
      tpu.wait_dma2 semaphore(%run_scoped3A : memref<!tpu.dma_semaphore, #tpu.memory_space<semaphore_mem>>) src(%arg8 : memref<128x128xf32, #tpu.memory_space<vmem>>) dst(%dma_wait3A_66 : memref<128x128xf32, #tpu.memory_space<vmem_shared>>)
      tpu.yield
    }) : () -> ()
    %mul3A_5 = arith.constant 640 : i32
    %mul3A_6 = arith.muli %arg1, %mul3A_5 : i32
    %add3A_7 = arith.constant 128 : i32
    %add3A_8 = arith.addi %mul3A_6, %add3A_7 : i32
    "tpu.region"() ({
      %run_scoped3A = tpu.sem_alloc : memref<!tpu.dma_semaphore, #tpu.memory_space<semaphore_mem>>
      %dma_start3A = arith.constant 0 : i32
      %dma_start3A_61 = tpu.memref_slice %arg7[%add3A_8, %dma_start3A] : memref<10240x128xf32, #tpu.memory_space<vmem_shared>> -> memref<128x128xf32, #tpu.memory_space<vmem_shared>>
      %dma_start3A_62 = arith.constant 0 : i32
      %dma_start3A_63 = tpu.memref_slice %arg7[%add3A_8, %dma_start3A_62] : memref<10240x128xf32, #tpu.memory_space<vmem_shared>> -> memref<128x128xf32, #tpu.memory_space<vmem_shared>>
      tpu.enqueue_dma source(%arg8 : memref<128x128xf32, #tpu.memory_space<vmem>>) target(%dma_start3A_63 : memref<128x128xf32, #tpu.memory_space<vmem_shared>>) target_semaphore(%run_scoped3A : memref<!tpu.dma_semaphore, #tpu.memory_space<semaphore_mem>>)
      %dma_wait3A = arith.constant 0 : i32
      %dma_wait3A_64 = tpu.memref_slice %arg7[%add3A_8, %dma_wait3A] : memref<10240x128xf32, #tpu.memory_space<vmem_shared>> -> memref<128x128xf32, #tpu.memory_space<vmem_shared>>
      %dma_wait3A_65 = arith.constant 0 : i32
      %dma_wait3A_66 = tpu.memref_slice %arg7[%add3A_8, %dma_wait3A_65] : memref<10240x128xf32, #tpu.memory_space<vmem_shared>> -> memref<128x128xf32, #tpu.memory_space<vmem_shared>>
      tpu.wait_dma2 semaphore(%run_scoped3A : memref<!tpu.dma_semaphore, #tpu.memory_space<semaphore_mem>>) src(%arg8 : memref<128x128xf32, #tpu.memory_space<vmem>>) dst(%dma_wait3A_66 : memref<128x128xf32, #tpu.memory_space<vmem_shared>>)
      tpu.yield
    }) : () -> ()
    %mul3A_9 = arith.constant 640 : i32
    %mul3A_10 = arith.muli %arg1, %mul3A_9 : i32
    %add3A_11 = arith.constant 256 : i32
    %add3A_12 = arith.addi %mul3A_10, %add3A_11 : i32
    "tpu.region"() ({
      %run_scoped3A = tpu.sem_alloc : memref<!tpu.dma_semaphore, #tpu.memory_space<semaphore_mem>>
      %dma_start3A = arith.constant 0 : i32
      %dma_start3A_61 = tpu.memref_slice %arg7[%add3A_12, %dma_start3A] : memref<10240x128xf32, #tpu.memory_space<vmem_shared>> -> memref<128x128xf32, #tpu.memory_space<vmem_shared>>
      %dma_start3A_62 = arith.constant 0 : i32
      %dma_start3A_63 = tpu.memref_slice %arg7[%add3A_12, %dma_start3A_62] : memref<10240x128xf32, #tpu.memory_space<vmem_shared>> -> memref<128x128xf32, #tpu.memory_space<vmem_shared>>
      tpu.enqueue_dma source(%arg8 : memref<128x128xf32, #tpu.memory_space<vmem>>) target(%dma_start3A_63 : memref<128x128xf32, #tpu.memory_space<vmem_shared>>) target_semaphore(%run_scoped3A : memref<!tpu.dma_semaphore, #tpu.memory_space<semaphore_mem>>)
      %dma_wait3A = arith.constant 0 : i32
      %dma_wait3A_64 = tpu.memref_slice %arg7[%add3A_12, %dma_wait3A] : memref<10240x128xf32, #tpu.memory_space<vmem_shared>> -> memref<128x128xf32, #tpu.memory_space<vmem_shared>>
      %dma_wait3A_65 = arith.constant 0 : i32
      %dma_wait3A_66 = tpu.memref_slice %arg7[%add3A_12, %dma_wait3A_65] : memref<10240x128xf32, #tpu.memory_space<vmem_shared>> -> memref<128x128xf32, #tpu.memory_space<vmem_shared>>
      tpu.wait_dma2 semaphore(%run_scoped3A : memref<!tpu.dma_semaphore, #tpu.memory_space<semaphore_mem>>) src(%arg8 : memref<128x128xf32, #tpu.memory_space<vmem>>) dst(%dma_wait3A_66 : memref<128x128xf32, #tpu.memory_space<vmem_shared>>)
      tpu.yield
    }) : () -> ()
    %mul3A_13 = arith.constant 640 : i32
    %mul3A_14 = arith.muli %arg1, %mul3A_13 : i32
    %add3A_15 = arith.constant 384 : i32
    %add3A_16 = arith.addi %mul3A_14, %add3A_15 : i32
    "tpu.region"() ({
      %run_scoped3A = tpu.sem_alloc : memref<!tpu.dma_semaphore, #tpu.memory_space<semaphore_mem>>
      %dma_start3A = arith.constant 0 : i32
      %dma_start3A_61 = tpu.memref_slice %arg7[%add3A_16, %dma_start3A] : memref<10240x128xf32, #tpu.memory_space<vmem_shared>> -> memref<128x128xf32, #tpu.memory_space<vmem_shared>>
      %dma_start3A_62 = arith.constant 0 : i32
      %dma_start3A_63 = tpu.memref_slice %arg7[%add3A_16, %dma_start3A_62] : memref<10240x128xf32, #tpu.memory_space<vmem_shared>> -> memref<128x128xf32, #tpu.memory_space<vmem_shared>>
      tpu.enqueue_dma source(%arg8 : memref<128x128xf32, #tpu.memory_space<vmem>>) target(%dma_start3A_63 : memref<128x128xf32, #tpu.memory_space<vmem_shared>>) target_semaphore(%run_scoped3A : memref<!tpu.dma_semaphore, #tpu.memory_space<semaphore_mem>>)
      %dma_wait3A = arith.constant 0 : i32
      %dma_wait3A_64 = tpu.memref_slice %arg7[%add3A_16, %dma_wait3A] : memref<10240x128xf32, #tpu.memory_space<vmem_shared>> -> memref<128x128xf32, #tpu.memory_space<vmem_shared>>
      %dma_wait3A_65 = arith.constant 0 : i32
      %dma_wait3A_66 = tpu.memref_slice %arg7[%add3A_16, %dma_wait3A_65] : memref<10240x128xf32, #tpu.memory_space<vmem_shared>> -> memref<128x128xf32, #tpu.memory_space<vmem_shared>>
      tpu.wait_dma2 semaphore(%run_scoped3A : memref<!tpu.dma_semaphore, #tpu.memory_space<semaphore_mem>>) src(%arg8 : memref<128x128xf32, #tpu.memory_space<vmem>>) dst(%dma_wait3A_66 : memref<128x128xf32, #tpu.memory_space<vmem_shared>>)
      tpu.yield
    }) : () -> ()
    %mul3A_17 = arith.constant 640 : i32
    %mul3A_18 = arith.muli %arg1, %mul3A_17 : i32
    %add3A_19 = arith.constant 512 : i32
    %add3A_20 = arith.addi %mul3A_18, %add3A_19 : i32
    "tpu.region"() ({
      %run_scoped3A = tpu.sem_alloc : memref<!tpu.dma_semaphore, #tpu.memory_space<semaphore_mem>>
      %dma_start3A = arith.constant 0 : i32
      %dma_start3A_61 = tpu.memref_slice %arg7[%add3A_20, %dma_start3A] : memref<10240x128xf32, #tpu.memory_space<vmem_shared>> -> memref<128x128xf32, #tpu.memory_space<vmem_shared>>
      %dma_start3A_62 = arith.constant 0 : i32
      %dma_start3A_63 = tpu.memref_slice %arg7[%add3A_20, %dma_start3A_62] : memref<10240x128xf32, #tpu.memory_space<vmem_shared>> -> memref<128x128xf32, #tpu.memory_space<vmem_shared>>
      tpu.enqueue_dma source(%arg8 : memref<128x128xf32, #tpu.memory_space<vmem>>) target(%dma_start3A_63 : memref<128x128xf32, #tpu.memory_space<vmem_shared>>) target_semaphore(%run_scoped3A : memref<!tpu.dma_semaphore, #tpu.memory_space<semaphore_mem>>)
      %dma_wait3A = arith.constant 0 : i32
      %dma_wait3A_64 = tpu.memref_slice %arg7[%add3A_20, %dma_wait3A] : memref<10240x128xf32, #tpu.memory_space<vmem_shared>> -> memref<128x128xf32, #tpu.memory_space<vmem_shared>>
      %dma_wait3A_65 = arith.constant 0 : i32
      %dma_wait3A_66 = tpu.memref_slice %arg7[%add3A_20, %dma_wait3A_65] : memref<10240x128xf32, #tpu.memory_space<vmem_shared>> -> memref<128x128xf32, #tpu.memory_space<vmem_shared>>
      tpu.wait_dma2 semaphore(%run_scoped3A : memref<!tpu.dma_semaphore, #tpu.memory_space<semaphore_mem>>) src(%arg8 : memref<128x128xf32, #tpu.memory_space<vmem>>) dst(%dma_wait3A_66 : memref<128x128xf32, #tpu.memory_space<vmem_shared>>)
      tpu.yield
    }) : () -> ()
    %barrier3A = arith.constant 0 : index
    tpu.barrier barrier_id(%barrier3A)
    %scan3A = arith.constant 0 : i32
    %scan3A_21 = arith.constant 79 : i32
    %scan3A_22 = arith.addi %scan3A, %scan3A_21 : i32
    %scan3A_23 = arith.constant 1 : i32
    scf.for %scan3A_61 = %scan3A to %scan3A_22 step %scan3A_23  : i32 {
      %mul3A_62 = arith.constant 1 : i32
      %mul3A_63 = arith.muli %scan3A_61, %mul3A_62 : i32
      %add3A_64 = arith.constant 0 : i32
      %add3A_65 = arith.addi %add3A_64, %mul3A_63 : i32
      %mul3A_66 = arith.constant 79 : i32
      %mul3A_67 = arith.muli %add3A, %mul3A_66 : i32
      %add3A_68 = arith.addi %mul3A_67, %add3A_65 : i32
      %mul3A_69 = arith.constant 128 : i32
      %mul3A_70 = arith.muli %add3A_68, %mul3A_69 : i32
      "tpu.region"() ({
        %run_scoped3A = tpu.sem_alloc : memref<!tpu.dma_semaphore, #tpu.memory_space<semaphore_mem>>
        %dma_start3A_75 = tpu.memref_slice %arg3[%mul3A_70] : memref<323584xi32, #tpu.memory_space<hbm>> -> memref<128xi32, #tpu.memory_space<hbm>>
        %dma_start3A_76 = tpu.memref_slice %arg3[%mul3A_70] : memref<323584xi32, #tpu.memory_space<hbm>> -> memref<128xi32, #tpu.memory_space<hbm>>
        tpu.enqueue_dma source(%dma_start3A_76 : memref<128xi32, #tpu.memory_space<hbm>>) target(%arg9 : memref<128xi32, #tpu.memory_space<vmem>>) target_semaphore(%run_scoped3A : memref<!tpu.dma_semaphore, #tpu.memory_space<semaphore_mem>>)
        %dma_wait3A_77 = tpu.memref_slice %arg3[%mul3A_70] : memref<323584xi32, #tpu.memory_space<hbm>> -> memref<128xi32, #tpu.memory_space<hbm>>
        %dma_wait3A_78 = tpu.memref_slice %arg3[%mul3A_70] : memref<323584xi32, #tpu.memory_space<hbm>> -> memref<128xi32, #tpu.memory_space<hbm>>
        tpu.wait_dma2 semaphore(%run_scoped3A : memref<!tpu.dma_semaphore, #tpu.memory_space<semaphore_mem>>) src(%dma_wait3A_78 : memref<128xi32, #tpu.memory_space<hbm>>) dst(%arg9 : memref<128xi32, #tpu.memory_space<vmem>>)
        tpu.yield
      }) : () -> ()
      "tpu.region"() ({
        %run_scoped3A = tpu.sem_alloc : memref<!tpu.dma_semaphore, #tpu.memory_space<semaphore_mem>>
        %dma_start3A_75 = tpu.memref_slice %arg4[%mul3A_70] : memref<323584xi32, #tpu.memory_space<hbm>> -> memref<128xi32, #tpu.memory_space<hbm>>
        %dma_start3A_76 = tpu.memref_slice %arg4[%mul3A_70] : memref<323584xi32, #tpu.memory_space<hbm>> -> memref<128xi32, #tpu.memory_space<hbm>>
        tpu.enqueue_dma source(%dma_start3A_76 : memref<128xi32, #tpu.memory_space<hbm>>) target(%arg10 : memref<128xi32, #tpu.memory_space<vmem>>) target_semaphore(%run_scoped3A : memref<!tpu.dma_semaphore, #tpu.memory_space<semaphore_mem>>)
        %dma_wait3A_77 = tpu.memref_slice %arg4[%mul3A_70] : memref<323584xi32, #tpu.memory_space<hbm>> -> memref<128xi32, #tpu.memory_space<hbm>>
        %dma_wait3A_78 = tpu.memref_slice %arg4[%mul3A_70] : memref<323584xi32, #tpu.memory_space<hbm>> -> memref<128xi32, #tpu.memory_space<hbm>>
        tpu.wait_dma2 semaphore(%run_scoped3A : memref<!tpu.dma_semaphore, #tpu.memory_space<semaphore_mem>>) src(%dma_wait3A_78 : memref<128xi32, #tpu.memory_space<hbm>>) dst(%arg10 : memref<128xi32, #tpu.memory_space<vmem>>)
        tpu.yield
      }) : () -> ()
      %dma_start3A = arith.constant 0 : i32
      %dma_start3A_71 = arith.constant 0 : i32
      %dma_start3A_72 = tpu.memref_slice %arg2[%dma_start3A, %dma_start3A_71] : memref<10240x128xf32, #tpu.memory_space<hbm>> -> memref<10240x128xf32, #tpu.memory_space<hbm>>
      tpu.enqueue_indirect_dma source(%dma_start3A_72 : memref<10240x128xf32, #tpu.memory_space<hbm>>) target(%arg8 : memref<128x128xf32, #tpu.memory_space<vmem>>) offsets(%arg9 : memref<128xi32, #tpu.memory_space<vmem>>) semaphore(%arg11 : memref<!tpu.dma_semaphore, #tpu.memory_space<semaphore_mem>>)
      %dma_wait3A = arith.constant 0 : i32
      %dma_wait3A_73 = arith.constant 0 : i32
      %dma_wait3A_74 = tpu.memref_slice %arg2[%dma_wait3A, %dma_wait3A_73] : memref<10240x128xf32, #tpu.memory_space<hbm>> -> memref<10240x128xf32, #tpu.memory_space<hbm>>
      tpu.wait_indirect_dma semaphore(%arg11 : memref<!tpu.dma_semaphore, #tpu.memory_space<semaphore_mem>>) src(%dma_wait3A_74 : memref<10240x128xf32, #tpu.memory_space<hbm>>) dst(%arg8 : memref<128x128xf32, #tpu.memory_space<vmem>>)
      "tpu.region"() ({
        %run_scoped3A = tpu.sem_alloc : memref<!tpu.dma_semaphore, #tpu.memory_space<semaphore_mem>>
        %dma_start3A_75 = arith.constant 0 : i32
        %dma_start3A_76 = arith.constant 0 : i32
        %dma_start3A_77 = tpu.memref_slice %arg7[%dma_start3A_75, %dma_start3A_76] : memref<10240x128xf32, #tpu.memory_space<vmem_shared>> -> memref<10240x128xf32, #tpu.memory_space<vmem_shared>>
        tpu.enqueue_indirect_dma source(%arg8 : memref<128x128xf32, #tpu.memory_space<vmem>>) target(%dma_start3A_77 : memref<10240x128xf32, #tpu.memory_space<vmem_shared>>) offsets(%arg10 : memref<128xi32, #tpu.memory_space<vmem>>) semaphore(%run_scoped3A : memref<!tpu.dma_semaphore, #tpu.memory_space<semaphore_mem>>) {add = true}
        %dma_wait3A_78 = arith.constant 0 : i32
        %dma_wait3A_79 = arith.constant 0 : i32
        %dma_wait3A_80 = tpu.memref_slice %arg7[%dma_wait3A_78, %dma_wait3A_79] : memref<10240x128xf32, #tpu.memory_space<vmem_shared>> -> memref<10240x128xf32, #tpu.memory_space<vmem_shared>>
        tpu.wait_indirect_dma semaphore(%run_scoped3A : memref<!tpu.dma_semaphore, #tpu.memory_space<semaphore_mem>>) src(%arg8 : memref<128x128xf32, #tpu.memory_space<vmem>>) dst(%dma_wait3A_80 : memref<10240x128xf32, #tpu.memory_space<vmem_shared>>)
        tpu.yield
      }) : () -> ()
    }
    %scan3A_24 = arith.constant 79 : i32
    %barrier3A_25 = arith.constant 0 : index
    tpu.barrier barrier_id(%barrier3A_25)
    %mul3A_26 = arith.constant 640 : i32
    %mul3A_27 = arith.muli %arg1, %mul3A_26 : i32
    %add3A_28 = arith.constant 0 : i32
    %add3A_29 = arith.addi %mul3A_27, %add3A_28 : i32
    "tpu.region"() ({
      %run_scoped3A = tpu.sem_alloc : memref<!tpu.dma_semaphore, #tpu.memory_space<semaphore_mem>>
      %dma_start3A = arith.constant 0 : i32
      %dma_start3A_61 = tpu.memref_slice %arg7[%add3A_29, %dma_start3A] : memref<10240x128xf32, #tpu.memory_space<vmem_shared>> -> memref<128x128xf32, #tpu.memory_space<vmem_shared>>
      %dma_start3A_62 = arith.constant 0 : i32
      %dma_start3A_63 = tpu.memref_slice %arg7[%add3A_29, %dma_start3A_62] : memref<10240x128xf32, #tpu.memory_space<vmem_shared>> -> memref<128x128xf32, #tpu.memory_space<vmem_shared>>
      tpu.enqueue_dma source(%dma_start3A_63 : memref<128x128xf32, #tpu.memory_space<vmem_shared>>) target(%arg8 : memref<128x128xf32, #tpu.memory_space<vmem>>) target_semaphore(%run_scoped3A : memref<!tpu.dma_semaphore, #tpu.memory_space<semaphore_mem>>)
      %dma_wait3A = arith.constant 0 : i32
      %dma_wait3A_64 = tpu.memref_slice %arg7[%add3A_29, %dma_wait3A] : memref<10240x128xf32, #tpu.memory_space<vmem_shared>> -> memref<128x128xf32, #tpu.memory_space<vmem_shared>>
      %dma_wait3A_65 = arith.constant 0 : i32
      %dma_wait3A_66 = tpu.memref_slice %arg7[%add3A_29, %dma_wait3A_65] : memref<10240x128xf32, #tpu.memory_space<vmem_shared>> -> memref<128x128xf32, #tpu.memory_space<vmem_shared>>
      tpu.wait_dma2 semaphore(%run_scoped3A : memref<!tpu.dma_semaphore, #tpu.memory_space<semaphore_mem>>) src(%dma_wait3A_66 : memref<128x128xf32, #tpu.memory_space<vmem_shared>>) dst(%arg8 : memref<128x128xf32, #tpu.memory_space<vmem>>)
      tpu.yield
    }) : () -> ()
    %mul3A_30 = arith.constant 10240 : i32
    %mul3A_31 = arith.muli %arg0, %mul3A_30 : i32
    %add3A_32 = arith.addi %mul3A_31, %add3A_29 : i32
    "tpu.region"() ({
      %run_scoped3A = tpu.sem_alloc : memref<!tpu.dma_semaphore, #tpu.memory_space<semaphore_mem>>
      %dma_start3A = arith.constant 0 : i32
      %dma_start3A_61 = tpu.memref_slice %arg6[%add3A_32, %dma_start3A] : memref<20480x128xf32, #tpu.memory_space<hbm>> -> memref<128x128xf32, #tpu.memory_space<hbm>>
      %dma_start3A_62 = arith.constant 0 : i32
      %dma_start3A_63 = tpu.memref_slice %arg6[%add3A_32, %dma_start3A_62] : memref<20480x128xf32, #tpu.memory_space<hbm>> -> memref<128x128xf32, #tpu.memory_space<hbm>>
      tpu.enqueue_dma source(%arg8 : memref<128x128xf32, #tpu.memory_space<vmem>>) target(%dma_start3A_63 : memref<128x128xf32, #tpu.memory_space<hbm>>) target_semaphore(%run_scoped3A : memref<!tpu.dma_semaphore, #tpu.memory_space<semaphore_mem>>)
      %dma_wait3A = arith.constant 0 : i32
      %dma_wait3A_64 = tpu.memref_slice %arg6[%add3A_32, %dma_wait3A] : memref<20480x128xf32, #tpu.memory_space<hbm>> -> memref<128x128xf32, #tpu.memory_space<hbm>>
      %dma_wait3A_65 = arith.constant 0 : i32
      %dma_wait3A_66 = tpu.memref_slice %arg6[%add3A_32, %dma_wait3A_65] : memref<20480x128xf32, #tpu.memory_space<hbm>> -> memref<128x128xf32, #tpu.memory_space<hbm>>
      tpu.wait_dma2 semaphore(%run_scoped3A : memref<!tpu.dma_semaphore, #tpu.memory_space<semaphore_mem>>) src(%arg8 : memref<128x128xf32, #tpu.memory_space<vmem>>) dst(%dma_wait3A_66 : memref<128x128xf32, #tpu.memory_space<hbm>>)
      tpu.yield
    }) : () -> ()
    %mul3A_33 = arith.constant 640 : i32
    %mul3A_34 = arith.muli %arg1, %mul3A_33 : i32
    %add3A_35 = arith.constant 128 : i32
    %add3A_36 = arith.addi %mul3A_34, %add3A_35 : i32
    "tpu.region"() ({
      %run_scoped3A = tpu.sem_alloc : memref<!tpu.dma_semaphore, #tpu.memory_space<semaphore_mem>>
      %dma_start3A = arith.constant 0 : i32
      %dma_start3A_61 = tpu.memref_slice %arg7[%add3A_36, %dma_start3A] : memref<10240x128xf32, #tpu.memory_space<vmem_shared>> -> memref<128x128xf32, #tpu.memory_space<vmem_shared>>
      %dma_start3A_62 = arith.constant 0 : i32
      %dma_start3A_63 = tpu.memref_slice %arg7[%add3A_36, %dma_start3A_62] : memref<10240x128xf32, #tpu.memory_space<vmem_shared>> -> memref<128x128xf32, #tpu.memory_space<vmem_shared>>
      tpu.enqueue_dma source(%dma_start3A_63 : memref<128x128xf32, #tpu.memory_space<vmem_shared>>) target(%arg8 : memref<128x128xf32, #tpu.memory_space<vmem>>) target_semaphore(%run_scoped3A : memref<!tpu.dma_semaphore, #tpu.memory_space<semaphore_mem>>)
      %dma_wait3A = arith.constant 0 : i32
      %dma_wait3A_64 = tpu.memref_slice %arg7[%add3A_36, %dma_wait3A] : memref<10240x128xf32, #tpu.memory_space<vmem_shared>> -> memref<128x128xf32, #tpu.memory_space<vmem_shared>>
      %dma_wait3A_65 = arith.constant 0 : i32
      %dma_wait3A_66 = tpu.memref_slice %arg7[%add3A_36, %dma_wait3A_65] : memref<10240x128xf32, #tpu.memory_space<vmem_shared>> -> memref<128x128xf32, #tpu.memory_space<vmem_shared>>
      tpu.wait_dma2 semaphore(%run_scoped3A : memref<!tpu.dma_semaphore, #tpu.memory_space<semaphore_mem>>) src(%dma_wait3A_66 : memref<128x128xf32, #tpu.memory_space<vmem_shared>>) dst(%arg8 : memref<128x128xf32, #tpu.memory_space<vmem>>)
      tpu.yield
    }) : () -> ()
    %mul3A_37 = arith.constant 10240 : i32
    %mul3A_38 = arith.muli %arg0, %mul3A_37 : i32
    %add3A_39 = arith.addi %mul3A_38, %add3A_36 : i32
    "tpu.region"() ({
      %run_scoped3A = tpu.sem_alloc : memref<!tpu.dma_semaphore, #tpu.memory_space<semaphore_mem>>
      %dma_start3A = arith.constant 0 : i32
      %dma_start3A_61 = tpu.memref_slice %arg6[%add3A_39, %dma_start3A] : memref<20480x128xf32, #tpu.memory_space<hbm>> -> memref<128x128xf32, #tpu.memory_space<hbm>>
      %dma_start3A_62 = arith.constant 0 : i32
      %dma_start3A_63 = tpu.memref_slice %arg6[%add3A_39, %dma_start3A_62] : memref<20480x128xf32, #tpu.memory_space<hbm>> -> memref<128x128xf32, #tpu.memory_space<hbm>>
      tpu.enqueue_dma source(%arg8 : memref<128x128xf32, #tpu.memory_space<vmem>>) target(%dma_start3A_63 : memref<128x128xf32, #tpu.memory_space<hbm>>) target_semaphore(%run_scoped3A : memref<!tpu.dma_semaphore, #tpu.memory_space<semaphore_mem>>)
      %dma_wait3A = arith.constant 0 : i32
      %dma_wait3A_64 = tpu.memref_slice %arg6[%add3A_39, %dma_wait3A] : memref<20480x128xf32, #tpu.memory_space<hbm>> -> memref<128x128xf32, #tpu.memory_space<hbm>>
      %dma_wait3A_65 = arith.constant 0 : i32
      %dma_wait3A_66 = tpu.memref_slice %arg6[%add3A_39, %dma_wait3A_65] : memref<20480x128xf32, #tpu.memory_space<hbm>> -> memref<128x128xf32, #tpu.memory_space<hbm>>
      tpu.wait_dma2 semaphore(%run_scoped3A : memref<!tpu.dma_semaphore, #tpu.memory_space<semaphore_mem>>) src(%arg8 : memref<128x128xf32, #tpu.memory_space<vmem>>) dst(%dma_wait3A_66 : memref<128x128xf32, #tpu.memory_space<hbm>>)
      tpu.yield
    }) : () -> ()
    %mul3A_40 = arith.constant 640 : i32
    %mul3A_41 = arith.muli %arg1, %mul3A_40 : i32
    %add3A_42 = arith.constant 256 : i32
    %add3A_43 = arith.addi %mul3A_41, %add3A_42 : i32
    "tpu.region"() ({
      %run_scoped3A = tpu.sem_alloc : memref<!tpu.dma_semaphore, #tpu.memory_space<semaphore_mem>>
      %dma_start3A = arith.constant 0 : i32
      %dma_start3A_61 = tpu.memref_slice %arg7[%add3A_43, %dma_start3A] : memref<10240x128xf32, #tpu.memory_space<vmem_shared>> -> memref<128x128xf32, #tpu.memory_space<vmem_shared>>
      %dma_start3A_62 = arith.constant 0 : i32
      %dma_start3A_63 = tpu.memref_slice %arg7[%add3A_43, %dma_start3A_62] : memref<10240x128xf32, #tpu.memory_space<vmem_shared>> -> memref<128x128xf32, #tpu.memory_space<vmem_shared>>
      tpu.enqueue_dma source(%dma_start3A_63 : memref<128x128xf32, #tpu.memory_space<vmem_shared>>) target(%arg8 : memref<128x128xf32, #tpu.memory_space<vmem>>) target_semaphore(%run_scoped3A : memref<!tpu.dma_semaphore, #tpu.memory_space<semaphore_mem>>)
      %dma_wait3A = arith.constant 0 : i32
      %dma_wait3A_64 = tpu.memref_slice %arg7[%add3A_43, %dma_wait3A] : memref<10240x128xf32, #tpu.memory_space<vmem_shared>> -> memref<128x128xf32, #tpu.memory_space<vmem_shared>>
      %dma_wait3A_65 = arith.constant 0 : i32
      %dma_wait3A_66 = tpu.memref_slice %arg7[%add3A_43, %dma_wait3A_65] : memref<10240x128xf32, #tpu.memory_space<vmem_shared>> -> memref<128x128xf32, #tpu.memory_space<vmem_shared>>
      tpu.wait_dma2 semaphore(%run_scoped3A : memref<!tpu.dma_semaphore, #tpu.memory_space<semaphore_mem>>) src(%dma_wait3A_66 : memref<128x128xf32, #tpu.memory_space<vmem_shared>>) dst(%arg8 : memref<128x128xf32, #tpu.memory_space<vmem>>)
      tpu.yield
    }) : () -> ()
    %mul3A_44 = arith.constant 10240 : i32
    %mul3A_45 = arith.muli %arg0, %mul3A_44 : i32
    %add3A_46 = arith.addi %mul3A_45, %add3A_43 : i32
    "tpu.region"() ({
      %run_scoped3A = tpu.sem_alloc : memref<!tpu.dma_semaphore, #tpu.memory_space<semaphore_mem>>
      %dma_start3A = arith.constant 0 : i32
      %dma_start3A_61 = tpu.memref_slice %arg6[%add3A_46, %dma_start3A] : memref<20480x128xf32, #tpu.memory_space<hbm>> -> memref<128x128xf32, #tpu.memory_space<hbm>>
      %dma_start3A_62 = arith.constant 0 : i32
      %dma_start3A_63 = tpu.memref_slice %arg6[%add3A_46, %dma_start3A_62] : memref<20480x128xf32, #tpu.memory_space<hbm>> -> memref<128x128xf32, #tpu.memory_space<hbm>>
      tpu.enqueue_dma source(%arg8 : memref<128x128xf32, #tpu.memory_space<vmem>>) target(%dma_start3A_63 : memref<128x128xf32, #tpu.memory_space<hbm>>) target_semaphore(%run_scoped3A : memref<!tpu.dma_semaphore, #tpu.memory_space<semaphore_mem>>)
      %dma_wait3A = arith.constant 0 : i32
      %dma_wait3A_64 = tpu.memref_slice %arg6[%add3A_46, %dma_wait3A] : memref<20480x128xf32, #tpu.memory_space<hbm>> -> memref<128x128xf32, #tpu.memory_space<hbm>>
      %dma_wait3A_65 = arith.constant 0 : i32
      %dma_wait3A_66 = tpu.memref_slice %arg6[%add3A_46, %dma_wait3A_65] : memref<20480x128xf32, #tpu.memory_space<hbm>> -> memref<128x128xf32, #tpu.memory_space<hbm>>
      tpu.wait_dma2 semaphore(%run_scoped3A : memref<!tpu.dma_semaphore, #tpu.memory_space<semaphore_mem>>) src(%arg8 : memref<128x128xf32, #tpu.memory_space<vmem>>) dst(%dma_wait3A_66 : memref<128x128xf32, #tpu.memory_space<hbm>>)
      tpu.yield
    }) : () -> ()
    %mul3A_47 = arith.constant 640 : i32
    %mul3A_48 = arith.muli %arg1, %mul3A_47 : i32
    %add3A_49 = arith.constant 384 : i32
    %add3A_50 = arith.addi %mul3A_48, %add3A_49 : i32
    "tpu.region"() ({
      %run_scoped3A = tpu.sem_alloc : memref<!tpu.dma_semaphore, #tpu.memory_space<semaphore_mem>>
      %dma_start3A = arith.constant 0 : i32
      %dma_start3A_61 = tpu.memref_slice %arg7[%add3A_50, %dma_start3A] : memref<10240x128xf32, #tpu.memory_space<vmem_shared>> -> memref<128x128xf32, #tpu.memory_space<vmem_shared>>
      %dma_start3A_62 = arith.constant 0 : i32
      %dma_start3A_63 = tpu.memref_slice %arg7[%add3A_50, %dma_start3A_62] : memref<10240x128xf32, #tpu.memory_space<vmem_shared>> -> memref<128x128xf32, #tpu.memory_space<vmem_shared>>
      tpu.enqueue_dma source(%dma_start3A_63 : memref<128x128xf32, #tpu.memory_space<vmem_shared>>) target(%arg8 : memref<128x128xf32, #tpu.memory_space<vmem>>) target_semaphore(%run_scoped3A : memref<!tpu.dma_semaphore, #tpu.memory_space<semaphore_mem>>)
      %dma_wait3A = arith.constant 0 : i32
      %dma_wait3A_64 = tpu.memref_slice %arg7[%add3A_50, %dma_wait3A] : memref<10240x128xf32, #tpu.memory_space<vmem_shared>> -> memref<128x128xf32, #tpu.memory_space<vmem_shared>>
      %dma_wait3A_65 = arith.constant 0 : i32
      %dma_wait3A_66 = tpu.memref_slice %arg7[%add3A_50, %dma_wait3A_65] : memref<10240x128xf32, #tpu.memory_space<vmem_shared>> -> memref<128x128xf32, #tpu.memory_space<vmem_shared>>
      tpu.wait_dma2 semaphore(%run_scoped3A : memref<!tpu.dma_semaphore, #tpu.memory_space<semaphore_mem>>) src(%dma_wait3A_66 : memref<128x128xf32, #tpu.memory_space<vmem_shared>>) dst(%arg8 : memref<128x128xf32, #tpu.memory_space<vmem>>)
      tpu.yield
    }) : () -> ()
    %mul3A_51 = arith.constant 10240 : i32
    %mul3A_52 = arith.muli %arg0, %mul3A_51 : i32
    %add3A_53 = arith.addi %mul3A_52, %add3A_50 : i32
    "tpu.region"() ({
      %run_scoped3A = tpu.sem_alloc : memref<!tpu.dma_semaphore, #tpu.memory_space<semaphore_mem>>
      %dma_start3A = arith.constant 0 : i32
      %dma_start3A_61 = tpu.memref_slice %arg6[%add3A_53, %dma_start3A] : memref<20480x128xf32, #tpu.memory_space<hbm>> -> memref<128x128xf32, #tpu.memory_space<hbm>>
      %dma_start3A_62 = arith.constant 0 : i32
      %dma_start3A_63 = tpu.memref_slice %arg6[%add3A_53, %dma_start3A_62] : memref<20480x128xf32, #tpu.memory_space<hbm>> -> memref<128x128xf32, #tpu.memory_space<hbm>>
      tpu.enqueue_dma source(%arg8 : memref<128x128xf32, #tpu.memory_space<vmem>>) target(%dma_start3A_63 : memref<128x128xf32, #tpu.memory_space<hbm>>) target_semaphore(%run_scoped3A : memref<!tpu.dma_semaphore, #tpu.memory_space<semaphore_mem>>)
      %dma_wait3A = arith.constant 0 : i32
      %dma_wait3A_64 = tpu.memref_slice %arg6[%add3A_53, %dma_wait3A] : memref<20480x128xf32, #tpu.memory_space<hbm>> -> memref<128x128xf32, #tpu.memory_space<hbm>>
      %dma_wait3A_65 = arith.constant 0 : i32
      %dma_wait3A_66 = tpu.memref_slice %arg6[%add3A_53, %dma_wait3A_65] : memref<20480x128xf32, #tpu.memory_space<hbm>> -> memref<128x128xf32, #tpu.memory_space<hbm>>
      tpu.wait_dma2 semaphore(%run_scoped3A : memref<!tpu.dma_semaphore, #tpu.memory_space<semaphore_mem>>) src(%arg8 : memref<128x128xf32, #tpu.memory_space<vmem>>) dst(%dma_wait3A_66 : memref<128x128xf32, #tpu.memory_space<hbm>>)
      tpu.yield
    }) : () -> ()
    %mul3A_54 = arith.constant 640 : i32
    %mul3A_55 = arith.muli %arg1, %mul3A_54 : i32
    %add3A_56 = arith.constant 512 : i32
    %add3A_57 = arith.addi %mul3A_55, %add3A_56 : i32
    "tpu.region"() ({
      %run_scoped3A = tpu.sem_alloc : memref<!tpu.dma_semaphore, #tpu.memory_space<semaphore_mem>>
      %dma_start3A = arith.constant 0 : i32
      %dma_start3A_61 = tpu.memref_slice %arg7[%add3A_57, %dma_start3A] : memref<10240x128xf32, #tpu.memory_space<vmem_shared>> -> memref<128x128xf32, #tpu.memory_space<vmem_shared>>
      %dma_start3A_62 = arith.constant 0 : i32
      %dma_start3A_63 = tpu.memref_slice %arg7[%add3A_57, %dma_start3A_62] : memref<10240x128xf32, #tpu.memory_space<vmem_shared>> -> memref<128x128xf32, #tpu.memory_space<vmem_shared>>
      tpu.enqueue_dma source(%dma_start3A_63 : memref<128x128xf32, #tpu.memory_space<vmem_shared>>) target(%arg8 : memref<128x128xf32, #tpu.memory_space<vmem>>) target_semaphore(%run_scoped3A : memref<!tpu.dma_semaphore, #tpu.memory_space<semaphore_mem>>)
      %dma_wait3A = arith.constant 0 : i32
      %dma_wait3A_64 = tpu.memref_slice %arg7[%add3A_57, %dma_wait3A] : memref<10240x128xf32, #tpu.memory_space<vmem_shared>> -> memref<128x128xf32, #tpu.memory_space<vmem_shared>>
      %dma_wait3A_65 = arith.constant 0 : i32
      %dma_wait3A_66 = tpu.memref_slice %arg7[%add3A_57, %dma_wait3A_65] : memref<10240x128xf32, #tpu.memory_space<vmem_shared>> -> memref<128x128xf32, #tpu.memory_space<vmem_shared>>
      tpu.wait_dma2 semaphore(%run_scoped3A : memref<!tpu.dma_semaphore, #tpu.memory_space<semaphore_mem>>) src(%dma_wait3A_66 : memref<128x128xf32, #tpu.memory_space<vmem_shared>>) dst(%arg8 : memref<128x128xf32, #tpu.memory_space<vmem>>)
      tpu.yield
    }) : () -> ()
    %mul3A_58 = arith.constant 10240 : i32
    %mul3A_59 = arith.muli %arg0, %mul3A_58 : i32
    %add3A_60 = arith.addi %mul3A_59, %add3A_57 : i32
    "tpu.region"() ({
      %run_scoped3A = tpu.sem_alloc : memref<!tpu.dma_semaphore, #tpu.memory_space<semaphore_mem>>
      %dma_start3A = arith.constant 0 : i32
      %dma_start3A_61 = tpu.memref_slice %arg6[%add3A_60, %dma_start3A] : memref<20480x128xf32, #tpu.memory_space<hbm>> -> memref<128x128xf32, #tpu.memory_space<hbm>>
      %dma_start3A_62 = arith.constant 0 : i32
      %dma_start3A_63 = tpu.memref_slice %arg6[%add3A_60, %dma_start3A_62] : memref<20480x128xf32, #tpu.memory_space<hbm>> -> memref<128x128xf32, #tpu.memory_space<hbm>>
      tpu.enqueue_dma source(%arg8 : memref<128x128xf32, #tpu.memory_space<vmem>>) target(%dma_start3A_63 : memref<128x128xf32, #tpu.memory_space<hbm>>) target_semaphore(%run_scoped3A : memref<!tpu.dma_semaphore, #tpu.memory_space<semaphore_mem>>)
      %dma_wait3A = arith.constant 0 : i32
      %dma_wait3A_64 = tpu.memref_slice %arg6[%add3A_60, %dma_wait3A] : memref<20480x128xf32, #tpu.memory_space<hbm>> -> memref<128x128xf32, #tpu.memory_space<hbm>>
      %dma_wait3A_65 = arith.constant 0 : i32
      %dma_wait3A_66 = tpu.memref_slice %arg6[%add3A_60, %dma_wait3A_65] : memref<20480x128xf32, #tpu.memory_space<hbm>> -> memref<128x128xf32, #tpu.memory_space<hbm>>
      tpu.wait_dma2 semaphore(%run_scoped3A : memref<!tpu.dma_semaphore, #tpu.memory_space<semaphore_mem>>) src(%arg8 : memref<128x128xf32, #tpu.memory_space<vmem>>) dst(%dma_wait3A_66 : memref<128x128xf32, #tpu.memory_space<hbm>>)
      tpu.yield
    }) : () -> ()
    return
  }
}

module attributes {stable_mosaic.version = 14 : i64} {
  func.func @_prep_body(%arg0: i32, %arg1: memref<1024x128xf32, #tpu.memory_space<vmem>>, %arg2: memref<128x128xf32, #tpu.memory_space<vmem>>, %arg3: memref<32x1024xf32, #tpu.memory_space<vmem>>, %arg4: memref<1024x128xf32, #tpu.memory_space<vmem>>, %arg5: memref<1024x1xf32, #tpu.memory_space<vmem>>) attributes {dimension_semantics = [#tpu.dimension_semantics<arbitrary>], iteration_bounds = array<i64: 10>, scalar_prefetch = 0 : i64, scratch_operands = 0 : i64, tpu.core_type = #tpu.core_type<tc>, window_params = [{transform_indices = @transform_0, window_bounds = array<i64: 1024, 128>}, {pipeline_mode = #tpu.pipeline_mode<synchronous>, transform_indices = @transform_1, window_bounds = array<i64: 128, 128>}, {transform_indices = @transform_2, window_bounds = array<i64: 32, 1024>}, {transform_indices = @transform_3, window_bounds = array<i64: 1024, 128>}, {transform_indices = @transform_4, window_bounds = array<i64: 1024, 1>}]} {
    %get3A = arith.constant 0 : index
    %get3A_0 = arith.constant 0 : index
    %get3A_1 = vector.load %arg3[%get3A, %get3A_0] : memref<32x1024xf32, #tpu.memory_space<vmem>>, vector<32x1024xf32>
    %reduce_sum3A = arith.constant dense<0.000000e+00> : vector<1024xf32>
    %reduce_sum3A_2 = vector.multi_reduction <add>, %get3A_1, %reduce_sum3A [0] : vector<32x1024xf32> to vector<1024xf32>
    %add3A = arith.constant 1.000000e+00 : f32
    %add3A_3 = vector.broadcast %add3A : f32 to vector<1024xf32>
    %add3A_4 = arith.addf %reduce_sum3A_2, %add3A_3 : vector<1024xf32>
    %rsqrt3A = math.rsqrt %add3A_4 : vector<1024xf32>
    %get3A_5 = arith.constant 0 : index
    %get3A_6 = arith.constant 0 : index
    %get3A_7 = vector.load %arg1[%get3A_5, %get3A_6] : memref<1024x128xf32, #tpu.memory_space<vmem>>, vector<1024x128xf32>
    %get3A_8 = arith.constant 0 : index
    %get3A_9 = arith.constant 0 : index
    %get3A_10 = vector.load %arg2[%get3A_8, %get3A_9] : memref<128x128xf32, #tpu.memory_space<vmem>>, vector<128x128xf32>
    %dot_general3A = arith.constant dense<0.000000e+00> : vector<1024x128xf32>
    %dot_general3A_11 = tpu.matmul %get3A_7, %get3A_10, %dot_general3A {dimension_numbers = #tpu.dot_dimension_numbers<[1], [0], [0], [1], [0, 0, 1, 1], [], []>, transpose_lhs_hint = false} : vector<1024x128xf32>, vector<128x128xf32>, vector<1024x128xf32> -> vector<1024x128xf32>
    %broadcast_in_dim3A = vector.shape_cast %rsqrt3A : vector<1024xf32> to vector<1024x1xf32>
    %mul3A = vector.broadcast %broadcast_in_dim3A : vector<1024x1xf32> to vector<1024x128xf32>
    %mul3A_12 = arith.mulf %dot_general3A_11, %mul3A : vector<1024x128xf32>
    %swap3A = arith.constant 0 : index
    %swap3A_13 = arith.constant 0 : index
    %swap3A_14 = vector.load %arg4[%swap3A, %swap3A_13] : memref<1024x128xf32, #tpu.memory_space<vmem>>, vector<1024x128xf32>
    tpu.vector_store %arg4[%swap3A, %swap3A_13], %mul3A_12 {strides = array<i32>} : memref<1024x128xf32, #tpu.memory_space<vmem>>, vector<1024x128xf32>,
    %broadcast_in_dim3A_15 = vector.shape_cast %rsqrt3A : vector<1024xf32> to vector<1024x1xf32>
    %swap3A_16 = arith.constant 0 : index
    %swap3A_17 = arith.constant 0 : index
    %swap3A_18 = vector.load %arg5[%swap3A_16, %swap3A_17] : memref<1024x1xf32, #tpu.memory_space<vmem>>, vector<1024x1xf32>
    tpu.vector_store %arg5[%swap3A_16, %swap3A_17], %broadcast_in_dim3A_15 {strides = array<i32>} : memref<1024x1xf32, #tpu.memory_space<vmem>>, vector<1024x1xf32>,
    return
  }
  func.func @transform_0(%arg0: i32) -> (i32, i32) {
    %c0_i32 = arith.constant 0 : i32
    %c0_i32_0 = arith.constant 0 : i32
    return %arg0, %c0_i32 : i32, i32
  }
  func.func @transform_1(%arg0: i32) -> (i32, i32) {
    %c0_i32 = arith.constant 0 : i32
    %c0_i32_0 = arith.constant 0 : i32
    %c0_i32_1 = arith.constant 0 : i32
    return %c0_i32, %c0_i32_0 : i32, i32
  }
  func.func @transform_2(%arg0: i32) -> (i32, i32) {
    %c0_i32 = arith.constant 0 : i32
    %c0_i32_0 = arith.constant 0 : i32
    return %c0_i32, %arg0 : i32, i32
  }
  func.func @transform_3(%arg0: i32) -> (i32, i32) {
    %c0_i32 = arith.constant 0 : i32
    %c0_i32_0 = arith.constant 0 : i32
    return %arg0, %c0_i32 : i32, i32
  }
  func.func @transform_4(%arg0: i32) -> (i32, i32) {
    %c0_i32 = arith.constant 0 : i32
    %c0_i32_0 = arith.constant 0 : i32
    return %arg0, %c0_i32 : i32, i32
  }
}

module attributes {stable_mosaic.version = 14 : i64} {
  func.func @_mid_body(%arg0: i32, %arg1: memref<2x1024x128xf32, #tpu.memory_space<vmem>>, %arg2: memref<1024x128xf32, #tpu.memory_space<vmem>>, %arg3: memref<1024x1xf32, #tpu.memory_space<vmem>>, %arg4: memref<1x128xf32, #tpu.memory_space<vmem>>, %arg5: memref<128x128xf32, #tpu.memory_space<vmem>>, %arg6: memref<1024x128xf32, #tpu.memory_space<vmem>>) attributes {dimension_semantics = [#tpu.dimension_semantics<arbitrary>], iteration_bounds = array<i64: 10>, scalar_prefetch = 0 : i64, scratch_operands = 0 : i64, tpu.core_type = #tpu.core_type<tc>, window_params = [{transform_indices = @transform_0, window_bounds = array<i64: 2, 1024, 128>}, {transform_indices = @transform_1, window_bounds = array<i64: 1024, 128>}, {transform_indices = @transform_2, window_bounds = array<i64: 1024, 1>}, {pipeline_mode = #tpu.pipeline_mode<synchronous>, transform_indices = @transform_3, window_bounds = array<i64: 1, 128>}, {pipeline_mode = #tpu.pipeline_mode<synchronous>, transform_indices = @transform_4, window_bounds = array<i64: 128, 128>}, {transform_indices = @transform_5, window_bounds = array<i64: 1024, 128>}]} {
    %get3A = arith.constant 0 : index
    %get3A_0 = arith.constant 0 : index
    %get3A_1 = arith.constant 0 : index
    %get3A_2 = vector.load %arg1[%get3A, %get3A_0, %get3A_1] : memref<2x1024x128xf32, #tpu.memory_space<vmem>>, vector<1x1024x128xf32>
    %get3A_3 = vector.shape_cast %get3A_2 : vector<1x1024x128xf32> to vector<1024x128xf32>
    %get3A_4 = arith.constant 1 : index
    %get3A_5 = arith.constant 0 : index
    %get3A_6 = arith.constant 0 : index
    %get3A_7 = vector.load %arg1[%get3A_4, %get3A_5, %get3A_6] : memref<2x1024x128xf32, #tpu.memory_space<vmem>>, vector<1x1024x128xf32>
    %get3A_8 = vector.shape_cast %get3A_7 : vector<1x1024x128xf32> to vector<1024x128xf32>
    %add3A = arith.addf %get3A_3, %get3A_8 : vector<1024x128xf32>
    %get3A_9 = arith.constant 0 : index
    %get3A_10 = arith.constant 0 : index
    %get3A_11 = vector.load %arg2[%get3A_9, %get3A_10] : memref<1024x128xf32, #tpu.memory_space<vmem>>, vector<1024x128xf32>
    %add3A_12 = arith.addf %add3A, %get3A_11 : vector<1024x128xf32>
    %get3A_13 = arith.constant 0 : index
    %get3A_14 = arith.constant 0 : index
    %get3A_15 = vector.load %arg3[%get3A_13, %get3A_14] : memref<1024x1xf32, #tpu.memory_space<vmem>>, vector<1024x1xf32>
    %mul3A = vector.broadcast %get3A_15 : vector<1024x1xf32> to vector<1024x128xf32>
    %mul3A_16 = arith.mulf %add3A_12, %mul3A : vector<1024x128xf32>
    %get3A_17 = arith.constant 0 : index
    %get3A_18 = arith.constant 0 : index
    %get3A_19 = vector.load %arg4[%get3A_17, %get3A_18] : memref<1x128xf32, #tpu.memory_space<vmem>>, vector<1x128xf32>
    %add3A_20 = vector.broadcast %get3A_19 : vector<1x128xf32> to vector<1024x128xf32>
    %add3A_21 = arith.addf %mul3A_16, %add3A_20 : vector<1024x128xf32>
    %max3A = arith.constant 0.000000e+00 : f32
    %max3A_22 = vector.broadcast %max3A : f32 to vector<1024x128xf32>
    %max3A_23 = arith.maximumf %add3A_21, %max3A_22 : vector<1024x128xf32>
    %get3A_24 = arith.constant 0 : index
    %get3A_25 = arith.constant 0 : index
    %get3A_26 = vector.load %arg5[%get3A_24, %get3A_25] : memref<128x128xf32, #tpu.memory_space<vmem>>, vector<128x128xf32>
    %dot_general3A = arith.constant dense<0.000000e+00> : vector<1024x128xf32>
    %dot_general3A_27 = tpu.matmul %max3A_23, %get3A_26, %dot_general3A {dimension_numbers = #tpu.dot_dimension_numbers<[1], [0], [0], [1], [0, 0, 1, 1], [], []>, transpose_lhs_hint = false} : vector<1024x128xf32>, vector<128x128xf32>, vector<1024x128xf32> -> vector<1024x128xf32>
    %get3A_28 = arith.constant 0 : index
    %get3A_29 = arith.constant 0 : index
    %get3A_30 = vector.load %arg3[%get3A_28, %get3A_29] : memref<1024x1xf32, #tpu.memory_space<vmem>>, vector<1024x1xf32>
    %mul3A_31 = vector.broadcast %get3A_30 : vector<1024x1xf32> to vector<1024x128xf32>
    %mul3A_32 = arith.mulf %dot_general3A_27, %mul3A_31 : vector<1024x128xf32>
    %swap3A = arith.constant 0 : index
    %swap3A_33 = arith.constant 0 : index
    %swap3A_34 = vector.load %arg6[%swap3A, %swap3A_33] : memref<1024x128xf32, #tpu.memory_space<vmem>>, vector<1024x128xf32>
    tpu.vector_store %arg6[%swap3A, %swap3A_33], %mul3A_32 {strides = array<i32>} : memref<1024x128xf32, #tpu.memory_space<vmem>>, vector<1024x128xf32>,
    return
  }
  func.func @transform_0(%arg0: i32) -> (i32, i32, i32) {
    %c0_i32 = arith.constant 0 : i32
    %c0_i32_0 = arith.constant 0 : i32
    %c0_i32_1 = arith.constant 0 : i32
    return %c0_i32, %arg0, %c0_i32_0 : i32, i32, i32
  }
  func.func @transform_1(%arg0: i32) -> (i32, i32) {
    %c0_i32 = arith.constant 0 : i32
    %c0_i32_0 = arith.constant 0 : i32
    return %arg0, %c0_i32 : i32, i32
  }
  func.func @transform_2(%arg0: i32) -> (i32, i32) {
    %c0_i32 = arith.constant 0 : i32
    %c0_i32_0 = arith.constant 0 : i32
    return %arg0, %c0_i32 : i32, i32
  }
  func.func @transform_3(%arg0: i32) -> (i32, i32) {
    %c0_i32 = arith.constant 0 : i32
    %c0_i32_0 = arith.constant 0 : i32
    %c0_i32_1 = arith.constant 0 : i32
    return %c0_i32, %c0_i32_0 : i32, i32
  }
  func.func @transform_4(%arg0: i32) -> (i32, i32) {
    %c0_i32 = arith.constant 0 : i32
    %c0_i32_0 = arith.constant 0 : i32
    %c0_i32_1 = arith.constant 0 : i32
    return %c0_i32, %c0_i32_0 : i32, i32
  }
  func.func @transform_5(%arg0: i32) -> (i32, i32) {
    %c0_i32 = arith.constant 0 : i32
    %c0_i32_0 = arith.constant 0 : i32
    return %arg0, %c0_i32 : i32, i32
  }
}

module attributes {stable_mosaic.version = 14 : i64} {
  func.func @_fin_body(%arg0: i32, %arg1: memref<2x1024x128xf32, #tpu.memory_space<vmem>>, %arg2: memref<1024x128xf32, #tpu.memory_space<vmem>>, %arg3: memref<1024x1xf32, #tpu.memory_space<vmem>>, %arg4: memref<1x128xf32, #tpu.memory_space<vmem>>, %arg5: memref<1024x128xf32, #tpu.memory_space<vmem>>) attributes {dimension_semantics = [#tpu.dimension_semantics<arbitrary>], iteration_bounds = array<i64: 10>, scalar_prefetch = 0 : i64, scratch_operands = 0 : i64, tpu.core_type = #tpu.core_type<tc>, window_params = [{transform_indices = @transform_0, window_bounds = array<i64: 2, 1024, 128>}, {transform_indices = @transform_1, window_bounds = array<i64: 1024, 128>}, {transform_indices = @transform_2, window_bounds = array<i64: 1024, 1>}, {pipeline_mode = #tpu.pipeline_mode<synchronous>, transform_indices = @transform_3, window_bounds = array<i64: 1, 128>}, {transform_indices = @transform_4, window_bounds = array<i64: 1024, 128>}]} {
    %get3A = arith.constant 0 : index
    %get3A_0 = arith.constant 0 : index
    %get3A_1 = arith.constant 0 : index
    %get3A_2 = vector.load %arg1[%get3A, %get3A_0, %get3A_1] : memref<2x1024x128xf32, #tpu.memory_space<vmem>>, vector<1x1024x128xf32>
    %get3A_3 = vector.shape_cast %get3A_2 : vector<1x1024x128xf32> to vector<1024x128xf32>
    %get3A_4 = arith.constant 1 : index
    %get3A_5 = arith.constant 0 : index
    %get3A_6 = arith.constant 0 : index
    %get3A_7 = vector.load %arg1[%get3A_4, %get3A_5, %get3A_6] : memref<2x1024x128xf32, #tpu.memory_space<vmem>>, vector<1x1024x128xf32>
    %get3A_8 = vector.shape_cast %get3A_7 : vector<1x1024x128xf32> to vector<1024x128xf32>
    %add3A = arith.addf %get3A_3, %get3A_8 : vector<1024x128xf32>
    %get3A_9 = arith.constant 0 : index
    %get3A_10 = arith.constant 0 : index
    %get3A_11 = vector.load %arg2[%get3A_9, %get3A_10] : memref<1024x128xf32, #tpu.memory_space<vmem>>, vector<1024x128xf32>
    %add3A_12 = arith.addf %add3A, %get3A_11 : vector<1024x128xf32>
    %get3A_13 = arith.constant 0 : index
    %get3A_14 = arith.constant 0 : index
    %get3A_15 = vector.load %arg3[%get3A_13, %get3A_14] : memref<1024x1xf32, #tpu.memory_space<vmem>>, vector<1024x1xf32>
    %mul3A = vector.broadcast %get3A_15 : vector<1024x1xf32> to vector<1024x128xf32>
    %mul3A_16 = arith.mulf %add3A_12, %mul3A : vector<1024x128xf32>
    %get3A_17 = arith.constant 0 : index
    %get3A_18 = arith.constant 0 : index
    %get3A_19 = vector.load %arg4[%get3A_17, %get3A_18] : memref<1x128xf32, #tpu.memory_space<vmem>>, vector<1x128xf32>
    %add3A_20 = vector.broadcast %get3A_19 : vector<1x128xf32> to vector<1024x128xf32>
    %add3A_21 = arith.addf %mul3A_16, %add3A_20 : vector<1024x128xf32>
    %swap3A = arith.constant 0 : index
    %swap3A_22 = arith.constant 0 : index
    %swap3A_23 = vector.load %arg5[%swap3A, %swap3A_22] : memref<1024x128xf32, #tpu.memory_space<vmem>>, vector<1024x128xf32>
    tpu.vector_store %arg5[%swap3A, %swap3A_22], %add3A_21 {strides = array<i32>} : memref<1024x128xf32, #tpu.memory_space<vmem>>, vector<1024x128xf32>,
    return
  }
  func.func @transform_0(%arg0: i32) -> (i32, i32, i32) {
    %c0_i32 = arith.constant 0 : i32
    %c0_i32_0 = arith.constant 0 : i32
    %c0_i32_1 = arith.constant 0 : i32
    return %c0_i32, %arg0, %c0_i32_0 : i32, i32, i32
  }
  func.func @transform_1(%arg0: i32) -> (i32, i32) {
    %c0_i32 = arith.constant 0 : i32
    %c0_i32_0 = arith.constant 0 : i32
    return %arg0, %c0_i32 : i32, i32
  }
  func.func @transform_2(%arg0: i32) -> (i32, i32) {
    %c0_i32 = arith.constant 0 : i32
    %c0_i32_0 = arith.constant 0 : i32
    return %arg0, %c0_i32 : i32, i32
  }
  func.func @transform_3(%arg0: i32) -> (i32, i32) {
    %c0_i32 = arith.constant 0 : i32
    %c0_i32_0 = arith.constant 0 : i32
    %c0_i32_1 = arith.constant 0 : i32
    return %c0_i32, %c0_i32_0 : i32, i32
  }
  func.func @transform_4(%arg0: i32) -> (i32, i32) {
    %c0_i32 = arith.constant 0 : i32
    %c0_i32_0 = arith.constant 0 : i32
    return %arg0, %c0_i32 : i32, i32
  }
}

</mosaic_0001>

<sc_bundles>
// kernel: kernel.11.cloned.1.call-start
scs
__scs_entry_jumppad:
0x0: {  	(pc) =	sbr.rel $0x88, $3  }
0x1: {  	(tag) =	ssettag $0x0;
	lr =	simm.s32 $0x1  }
0x2: {  	[smem:$0x3F9B] =	sst lr;
	_ =	strace $0xD0000000  }
0x3: {  	_ = 	snop  }
0x4: {  	_ = 	snop  }
0x5: {  	_ = 	snop  }
0x6: {  	_ = 	snop  }
0x7: {  	_ = 	snop  }
__scs_overlays_trampoline_lowered:
0x8: {  	[smem:$0x3FAA] =	sst s0  }
0x9: {  	[smem:$0x3FAB] =	sst s1  }
0xa: {  	[smem:$0x3FAC] =	sst s2  }
0xb: {  	[smem:$0x3FAD] =	sst s3  }
0xc: {  	[smem:$0x3FAE] =	sst s4  }
0xd: {  	[smem:$0x3FAF] =	sst s5  }
0xe: {  	[smem:$0x3FB0] =	sst s6  }
0xf: {  	[smem:$0x3FB1] =	sst s7  }
0x10: {  	[smem:$0x3FB2] =	sst s8  }
0x11: {  	[smem:$0x3FB3] =	sst s9;
	s0 =	simm.s32 @!p0 $0x0  }
0x12: {  	s1 =	sld [smem:$0x3F99];
	s0 =	simm.s32 @p0 $0x1  }
0x13: {  	[smem:$0x3FB4] =	sst s0;
	s0 =	simm.s32 @!p1 $0x0  }
0x14: {  	s2 =	sld [smem:$0x3F98];
	s0 =	simm.s32 @p1 $0x1  }
0x15: {  	[smem:$0x3FB5] =	sst s0;
	s0 =	simm.s32 @!p2 $0x0  }
0x16: {  	s3 =	sld [smem:$0x3FDB];
	s0 =	simm.s32 @p2 $0x1  }
0x17: {  	s4 =	simm.s32 $0x1BF5;
	[smem:$0x3FB7] =	sst s0  }
0x18: {  	s0 =	sld [smem:$0x3F9A];
	_ =	swait.ge [sflag:s4], $0x0  }
0x19: {  	s7 =	sld [smem:$0x3F9B]  }
0x1a: {  	s8 =	sadd.s32 $0xFFFFE003, lr  }
0x1b: {  	s9 =	sadd.s32 $0xFFFFFEF7, lr;
	s5 =	simm.s32 $0xFFFFFFFF;
	p2 =	slt.u32 s8, $0xFFFFF086  }
0x1c: {  	p1 =	slt.u32 s9, $0xF7A;
	s5 =	simm.s32 @!p2 $0x0  }
0x1d: {  	s5 =	simm.s32 @p1 $0x1;
	p0 =	seq.s32 s7, s2  }
0x1e: {  	s7 =	smul.u32 @!p0 $0xF7A, s2;
	p2 =	seq.s32 @!p0 s5, $0x0  }
0x1f: {  	s9 =	smul.u32 $0xF7A, s1;
	s8 =	simm.s32 @!p0 $0x1BF5;
	p2 =	por !p2, p0  }
0x20: {  	[sflag:s8] =	ssyncset.s32 @!p0 $0xFFFFF086;
	s6 =	sadd.s32 @!p0 s3, s7;
	s7 =	simm.s32 @!p0 $0x108  }
0x21: {  	s3 =	sadd.s32 s3, s9;
	s6 =	sadd.s32 @!p0 $0x88, s6;
	s7 =	simm.s32 @p2 $0x1082  }
0x22: {  	[simem:s7], [sflag:s8] =	dma.local @!p0 [hbm:s6], $0xF7A  }
0x23: {  	s9 =	sor.u32 $0xD0000000, s2;
	s6 =	simm.s32 $0x108;
	_ =	swait.ge @!p0 [sflag:s8], $0x0  }
0x24: {  	s3 =	sadd.s32 $0x88, s3;
	s6 =	simm.s32 @!p1 $0x1082;
	[sflag:s4] =	ssyncset.s32 $0xFFFFF086  }
0x25: {  	[simem:s6], [sflag:s4] =	dma.local [hbm:s3], $0xF7A  }
0x26: {  	[smem:$0x3F9B] =	sst s1;
	(tag) =	ssettag s2;
	_ =	strace s9  }
0x27: {  	s1 =	sld [smem:$0x3FAB]  }
0x28: {  	s2 =	sld [smem:$0x3FAC]  }
0x29: {  	s4 =	sld [smem:$0x3FAE]  }
0x2a: {  	p0 =	seq.s32 s5, $0x0;
	s5 =	sld [smem:$0x3FAF]  }
0x2b: {  	s6 =	sld [smem:$0x3FB0]  }
0x2c: {  	s7 =	sld [smem:$0x3FB1]  }
0x2d: {  	s3 =	simm.s32 $0x108;
	s8 =	sld [smem:$0x3FB2]  }
0x2e: {  	s3 =	simm.s32 @!p0 $0x1082;
	s9 =	sld [smem:$0x3FB3]  }
0x2f: {  	lr =	sadd.s32 s0, s3;
	s0 =	sld [smem:$0x3FAA]  }
0x30: {  	s3 =	sld [smem:$0x3FAD]  }
0x31: {  	[smem:$0x3FB6] =	sst s10  }
0x32: {  	s10 =	sld [smem:$0x3FB4];
	_ =	sdelay $0x3  }
0x33: {  	p0 =	seq.s32 s10, $0x1;
	s10 =	sld [smem:$0x3FB6];
	_ =	sdelay $0x3  }
0x34: {  	[smem:$0x3FB6] =	sst s10  }
0x35: {  	s10 =	sld [smem:$0x3FB5];
	_ =	sdelay $0x3  }
0x36: {  	p1 =	seq.s32 s10, $0x1;
	s10 =	sld [smem:$0x3FB6];
	_ =	sdelay $0x3  }
0x37: {  	[smem:$0x3FB6] =	sst s10  }
0x38: {  	s10 =	sld [smem:$0x3FB7]  }
0x39: {  	_ = 	snop;
	(pc) =	sbr.ind lr, $3  }
0x3a: {  	_ = 	snop  }
0x3b: {  	_ = 	snop  }
0x3c: {  	p2 =	seq.s32 s10, $0x1;
	s10 =	sld [smem:$0x3FB6]  }
0x3d: {  	_ =	shalt  }
0x3e: {  	_ =	shalt  }
0x3f: {  	_ =	shalt  }
0x40: {  	_ =	shalt  }
0x41: {  	_ =	shalt  }
0x42: {  	_ =	shalt  }
0x43: {  	_ =	shalt  }
0x44: {  	_ =	shalt  }
0x45: {  	_ =	shalt  }
0x46: {  	_ =	shalt  }
0x47: {  	_ =	shalt  }
0x48: {  	_ =	shalt  }
0x49: {  	_ =	shalt  }
0x4a: {  	_ =	shalt  }
0x4b: {  	_ =	shalt  }
0x4c: {  	_ =	shalt  }
0x4d: {  	_ =	shalt  }
0x4e: {  	_ =	shalt  }
0x4f: {  	_ =	shalt  }
0x50: {  	_ =	shalt  }
0x51: {  	_ =	shalt  }
0x52: {  	_ =	shalt  }
0x53: {  	_ =	shalt  }
0x54: {  	_ =	shalt  }
0x55: {  	_ =	shalt  }
0x56: {  	_ =	shalt  }
0x57: {  	_ =	shalt  }
0x58: {  	_ =	shalt  }
0x59: {  	_ =	shalt  }
0x5a: {  	_ =	shalt  }
0x5b: {  	_ =	shalt  }
0x5c: {  	_ =	shalt  }
0x5d: {  	_ =	shalt  }
0x5e: {  	_ =	shalt  }
0x5f: {  	_ =	shalt  }
0x60: {  	_ =	shalt  }
0x61: {  	_ =	shalt  }
0x62: {  	_ =	shalt  }
0x63: {  	_ =	shalt  }
0x64: {  	_ =	shalt  }
0x65: {  	_ =	shalt  }
0x66: {  	_ =	shalt  }
0x67: {  	_ =	shalt  }
0x68: {  	_ =	shalt  }
0x69: {  	_ =	shalt  }
0x6a: {  	_ =	shalt  }
0x6b: {  	_ =	shalt  }
0x6c: {  	_ =	shalt  }
0x6d: {  	_ =	shalt  }
0x6e: {  	_ =	shalt  }
0x6f: {  	_ =	shalt  }
0x70: {  	_ =	shalt  }
0x71: {  	_ =	shalt  }
0x72: {  	_ =	shalt  }
0x73: {  	_ =	shalt  }
0x74: {  	_ =	shalt  }
0x75: {  	_ =	shalt  }
0x76: {  	_ =	shalt  }
0x77: {  	_ =	shalt  }
0x78: {  	_ =	shalt  }
0x79: {  	_ =	shalt  }
0x7a: {  	_ =	shalt  }
0x7b: {  	_ =	shalt  }
0x7c: {  	_ =	shalt  }
0x7d: {  	_ =	shalt  }
0x7e: {  	_ =	shalt  }
0x7f: {  	_ =	shalt  }
0x80: {  	_ =	shalt  }
0x81: {  	_ =	shalt  }
0x82: {  	_ =	shalt  }
0x83: {  	_ =	shalt  }
0x84: {  	_ =	shalt  }
0x85: {  	_ =	shalt  }
0x86: {  	_ =	shalt  }
0x87: {  	_ =	shalt  }
.Lfunc_end0:
.L_simem_size_0:
called_computation.1_lowered:
.L_overlay_start_0:
0x88: {  	s2 =	sld [smem:$0x3FD9]  }
0x89: {  	s3 =	sld [smem:$0x3FFE];
	_ =	sdelay $0x1  }
0x8a: {  	s1 =	srdreg.scid  }
0x8b: {  	s0 =	sand.u32 $0x1, s1  }
0x8c: {  	s17 =	sshll.u32 s0, $0xA;
	s2 =	sadd.s32 s3, s2  }
0x8d: {  	s2 =	sadd.s32 s2, s17  }
0x8e: {  	[smem:$0x3FC2] =	sst s2  }
0x8f: {  	_ = 	snop  }
0x90: {  	s2 =	sld [smem:$0x3FD0];
	(tm) =	ssettm $0x1  }
0x91: {  	s18 =	sld [smem:$0x3FFB];
	_ =	sdelay $0x3  }
0x92: {  	_ =	strace s18  }
0x93: {  	s3 =	sld [smem:$0x3FFC];
	_ =	sdelay $0x3  }
0x94: {  	_ =	strace s3  }
0x95: {  	s3 =	sld [smem:$0x3FFD];
	_ =	sdelay $0x3  }
0x96: {  	_ =	strace s3  }
0x97: {  	_ =	strace $0x8FFFFFFF  }
0x98: {  	s19 =	sld [smem:$0x3FDB];
	_ =	sdelay $0x1  }
0x99: {  	s4 =	simm.s32 $_scs_section_size  }
0x9a: {  	s5 =	simm.s32 $_size__tile_overlayer_lowered;
	s6 =	simm.s32 $_tile_overlayer_lowered  }
0x9b: {  	s22 =	simm.s32 $0x1BFF;
	s21 =	sshll.u32 s6, $0x1;
	s3 =	sadd.s32 s4, s19  }
0x9c: {  	s7 =	simm.s32 $0x0;
	s20 =	sshll.u32 s5, $0x1;
	s5 =	sadd.s32 s21, s3  }
0x9d: {  	[timem:s7], [sflag:s22] =	dma.local [hbm:s5], s20  }
0x9e: {  	_ =	swait.ge [sflag:s22], s20  }
0x9f: {  	s4 =	ssub.s32 $0x0, s20;
	[sflag:s22] =	ssyncset.done $0x0  }
0xa0: {  	[sflag:s22] =	ssyncadd.s32 s4;
	_ =	sdelay $0x1  }
0xa1: {  	s23 =	simm.s32 $0x1B8B  }
0xa2: {  	_ =	swait.ge [sflag:s23], $0x1  }
0xa3: {  	[sflag:s23] =	ssyncset.done $0x0  }
0xa4: {  	s25 =	simm.s32 $0x1B8E;
	s24 =	sld [smem:$0x3FFE];
	[sflag:s23] =	ssyncadd.s32 $0xFFFFFFFF  }
0xa5: {  	s26 =	simm.s32 $execute0_lowered;
	[smem:$0x3FD2] =	sst s25  }
0xa6: {  	s5 =	sshll.u32 s26, $0x1;
	_ =	strace $0x80000049;
	[dreg:$0x1] =	wrdreg $0xFFFFFFFF  }
0xa7: {  	s28 =	simm.s32 $_size_execute0_lowered;
	s3 =	sadd.s32 s3, s5;
	[dreg:$0x0] =	wrdreg $0x0  }
0xa8: {  	s5 =	sshll.u32 s28, $0x1;
	[dreg:$0x2] =	wrdreg s3  }
0xa9: {  	[dreg:$0x3] =	wrdreg s5  }
0xaa: {  	[dreg:$0x4] =	wrdreg $0xC0  }
0xab: {  	_ =	task [dreg:s7], $0x5FFFF  }
0xac: {  	[dreg:$0x1] =	wrdreg $0xFFFFFFFF  }
0xad: {  	[dreg:$0x0] =	wrdreg $0x60  }
0xae: {  	[dreg:$0x2] =	wrdreg s24  }
0xaf: {  	[dreg:$0x3] =	wrdreg s2  }
0xb0: {  	[dreg:$0x4] =	wrdreg $0x0  }
0xb1: {  	[dreg:$0x5] =	wrdreg $0x9  }
0xb2: {  	_ =	task.clear_ibuf [dreg:s7], $0x6FFFF;
	_ =	strace $0x90000049  }
0xb3: {  	s29 =	simm.s32 $0x9;
	_ =	strace $0x8000004B  }
0xb4: {  	_ =	swait.ge [sflag:s29], $0x1  }
0xb5: {  	[sflag:s29] =	ssyncadd.s32 $0xFFFFFFFF  }
0xb6: {  	_ =	strace $0x9000004B  }
0xb7: {  	_ =	sfence  }
0xb8: {  	s30 =	sld [smem:$0x0];
	_ =	sdelay $0x2  }
0xb9: {  	s31 =	sshll.u32 s1, $0xD;
	s1 =	sshrl.u32 s1, $0x2  }
0xba: {  	s3 =	sand.u32 $0x4000, s31;
	s1 =	sadd.s32 s1, s30  }
0xbb: {  	s0 =	sor.u32 s3, s0;
	s1 =	sshll.u32 s1, $0x11  }
0xbc: {  	s0 =	sor.u32 s1, s0  }
0xbd: {  	s0 =	sadd.s32 $0x8F2B, s0  }
0xbe: {  	[sflag:s0] =	ssyncadd.remote.s32 $0x1  }
0xbf: {  	_ =	sfence.sel $0xFFFF  }
0xc0: {  	[dreg:$0x0] =	wrdreg $0xFFFFFFFF;
	(pc) =	sbr.abs _section_cstart, $3  }
0xc1: {  	[dreg:$0x1] =	wrdreg $0xFFFFFFFF  }
0xc2: {  	_ =	task.clear_ibuf [dreg:s7], $0x2FFFF;
	_ =	strace $0x9FFFFFFF  }
0xc3: {  	(tm) =	ssettm $0x7FFFFFFF  }
tec
execute0_lowered:
.L_overlay_start_1:
0x0: {  	(tag) =	ssettag $0x1  }
0x1: {  	s6 =	rddreg [dreg:$0x0]  }
0x2: {  	s1 =	rddreg [dreg:$0x1]  }
0x3: {  	s2 =	rddreg [dreg:$0x2]  }
0x4: {  	s0 =	rddreg [dreg:$0x3];
	s3 =	simm.s32 $0x0;
	s4 =	srdreg.scid  }
0x5: {  	[smem:$0x7FF] =	sst s3;
	s8 =	sand.u32 $0x1, s4  }
0x6: {  	s4 =	stileid.u32;
	s7 =	smul.u32 $0x4F00, s8  }
0x7: {  	s5 =	sadd.s32 $0x16800, s6;
	s15 =	sadd.s32 $0x3E800, s6;
	s10 =	smul.u32 $0x280, s4  }
0x8: {  	_ =	strace $0x8000004A;
	s18 =	ssub.s32 $0x2, s8;
	s9 =	smul.u32 $0x50000, s4  }
0x9: {  	s14 =	smul.u32 $0x2800, s8;
	s19 =	sshrl.u32 s18, $0x1;
	s17 =	sadd.s32 s7, s6  }
0xa: {  	s11 =	sadd.s32 $0x80, s10;
	s16 =	ssub.s32 s18, s19;
	s20 =	sshrl.u32 s9, $0x2  }
0xb: {  	s12 =	sadd.s32 $0x100, s10;
	s13 =	sadd.s32 $0x180, s10;
	s18 =	sadd.s32 $0x200, s10  }
0xc: {  	s21 =	sshll.u32 s11, $0x7;
	s6 =	sadd.s32 s20, s2;
	s22 =	sshll.u32 s12, $0x7  }
0xd: {  	s23 =	sshll.u32 s13, $0x7;
	s19 =	sshll.u32 s18, $0x7;
	s20 =	sadd.s32 s10, s14  }
0xe: {  	s25 =	sadd.s32 s14, s11;
	s28 =	sadd.s32 s14, s12;
	s13 =	sadd.s32 s14, s13  }
0xf: {  	s18 =	sadd.s32 s14, s18;
	s16 =	smax.u32 s16, $0x1;
	s7 =	sadd.s32 s21, s2  }
0x10: {  	s8 =	sadd.s32 s22, s2;
	s9 =	sadd.s32 s23, s2;
	s10 =	sadd.s32 s19, s2  }
0x11: {  	s24 =	sshll.u32 s20, $0x4;
	s26 =	sshll.u32 s25, $0x4;
	s29 =	sshll.u32 s28, $0x4  }
0x12: {  	s30 =	sshll.u32 s13, $0x4;
	s21 =	smul.u32 $0x4F0, s4;
	s18 =	sshll.u32 s18, $0x4  }
0x13: {  	s19 =	simm.s32 $0x14000;
	s20 =	simm.s32 $0x2;
	s22 =	simm.s32 $0x18080  }
0x14: {  	s23 =	simm.s32 $0x80;
	s25 =	simm.s32 $0x0;
	s11 =	sadd.s32 s15, s24  }
0x15: {  	s12 =	sadd.s32 s15, s26;
	s13 =	sadd.s32 s15, s29;
	s14 =	sadd.s32 s15, s30  }
0x16: {  	s15 =	sadd.s32 s15, s18;
	s24 =	simm.s32 $0x1;
	s31 =	sadd.s32 s21, s17  }
0x17: {  	s21 =	simm.s32 $0x18000;
	s17 =	sadd.s32 $0x2600, s31;
	s18 =	sadd.s32 $0xCA00, s31  }
.LBB2_1:
0x18: {  	[tilespmem:s19], [sflag:$0x2] =	stream.linear.gather [hbm4b:s1+s3], $0x4000, $0x38;
	[tilespmem:$0x18100] =	vst v63  }
0x19: {  	_ =	swait.ge [sflag:s20], $0x4000  }
0x1a: {  	[sflag:s20] =	ssyncset.done $0x0  }
0x1b: {  	[sflag:s20] =	ssyncadd.s32 $0xFFFFC000  }
0x1c: {  	[spmem:s6] =	stream.linear.scatter [tilespmem:s19], [sflag:$0x2], $0x4000, $0x38;
	[tilespmem:$0x18100] =	vst v63  }
0x1d: {  	_ =	swait.ge [sflag:s20], $0x4000  }
0x1e: {  	[sflag:s20] =	ssyncset.done $0x0  }
0x1f: {  	[sflag:s20] =	ssyncadd.s32 $0xFFFFC000  }
0x20: {  	[spmem:s7] =	stream.linear.scatter [tilespmem:s19], [sflag:$0x2], $0x4000, $0x38;
	[tilespmem:$0x18100] =	vst v63  }
0x21: {  	_ =	swait.ge [sflag:s20], $0x4000  }
0x22: {  	[sflag:s20] =	ssyncset.done $0x0  }
0x23: {  	[sflag:s20] =	ssyncadd.s32 $0xFFFFC000  }
0x24: {  	[spmem:s8] =	stream.linear.scatter [tilespmem:s19], [sflag:$0x2], $0x4000, $0x38;
	[tilespmem:$0x18100] =	vst v63  }
0x25: {  	_ =	swait.ge [sflag:s20], $0x4000  }
0x26: {  	[sflag:s20] =	ssyncset.done $0x0  }
0x27: {  	[sflag:s20] =	ssyncadd.s32 $0xFFFFC000  }
0x28: {  	[spmem:s9] =	stream.linear.scatter [tilespmem:s19], [sflag:$0x2], $0x4000, $0x38;
	[tilespmem:$0x18100] =	vst v63  }
0x29: {  	_ =	swait.ge [sflag:s20], $0x4000  }
0x2a: {  	[sflag:s20] =	ssyncset.done $0x0  }
0x2b: {  	[sflag:s20] =	ssyncadd.s32 $0xFFFFC000  }
0x2c: {  	[spmem:s10] =	stream.linear.scatter [tilespmem:s19], [sflag:$0x2], $0x4000, $0x38;
	[tilespmem:$0x18100] =	vst v63  }
0x2d: {  	_ =	swait.ge [sflag:s20], $0x4000  }
0x2e: {  	[sflag:s20] =	ssyncset.done $0x0  }
0x2f: {  	[sflag:s20] =	ssyncadd.s32 $0xFFFFC000  }
0x30: {  	s26 =	sadd.s32 $0x0, s18;
	[bflag:$0x0] =	sbarrier.arrive $0xFFFF  }
0x31: {  	[tilespmem:s21], [sflag:$0x2] =	stream.linear.gather [hbm4b:s26+s3], $0x80, $0x38;
	[tilespmem:$0x18100] =	vst v63  }
0x32: {  	_ =	swait.ge [sflag:s20], $0x80  }
0x33: {  	[sflag:s20] =	ssyncset.done $0x0  }
0x34: {  	s31 =	sadd.s32 $0x0, s17;
	[sflag:s20] =	ssyncadd.s32 $0xFFFFFF80  }
0x35: {  	[tilespmem:s22], [sflag:$0x2] =	stream.linear.gather [hbm4b:s31+s3], $0x80, $0x38;
	[tilespmem:$0x18100] =	vst v63  }
0x36: {  	_ =	swait.ge [sflag:s20], $0x80  }
0x37: {  	[sflag:s20] =	ssyncset.done $0x0  }
0x38: {  	[sflag:s20] =	ssyncadd.s32 $0xFFFFFF80  }
0x39: {  	[tilespmem:s19], [sflag:$0x1] =	stream.indirect.gather [hbm4b:s5+s23], $0x80, s21, s23, $0xb8;
	[tilespmem:$0x18100] =	vst v63  }
0x3a: {  	_ =	swait.ge [sflag:s24], $0x4000  }
0x3b: {  	[sflag:s24] =	ssyncset.done $0x0  }
0x3c: {  	[sflag:s24] =	ssyncadd.s32 $0xFFFFC000  }
0x3d: {  	[spmem:s2] =	stream.indirect.scatter.add.f32 [tilespmem:s19], [sflag:$0x2], $0x80, s22, s23, $0xb8;
	[tilespmem:$0x18100] =	vst v63  }
0x3e: {  	_ =	swait.ge [sflag:s20], $0x4000  }
0x3f: {  	s28 =	simm.s32 $0x20;
	s26 =	simm.s32 $0x10;
	[sflag:s20] =	ssyncset.done $0x0  }
.LBB2_2:
0x40: {  	s29 =	sadd.s32 s26, s18  }
0x41: {  	[sflag:s20] =	ssyncadd.s32 $0xFFFFC000;
	s30 =	smov.u32 s28;
	s31 =	sadd.s32 $0x10, s28  }
0x42: {  	[tilespmem:s21], [sflag:$0x2] =	stream.linear.gather [hbm4b:s29+s3], $0x80, $0x38;
	[tilespmem:$0x18100] =	vst v63  }
0x43: {  	p0 =	sne.s32 s28, $0x4E0;
	_ =	swait.ge [sflag:s20], $0x80  }
0x44: {  	[sflag:s20] =	ssyncset.done $0x0  }
0x45: {  	s28 =	sadd.s32 s26, s17;
	s26 =	smov.u32 s30;
	[sflag:s20] =	ssyncadd.s32 $0xFFFFFF80  }
0x46: {  	[tilespmem:s22], [sflag:$0x2] =	stream.linear.gather [hbm4b:s28+s3], $0x80, $0x38;
	[tilespmem:$0x18100] =	vst v63  }
0x47: {  	_ =	swait.ge [sflag:s20], $0x80  }
0x48: {  	[sflag:s20] =	ssyncset.done $0x0  }
0x49: {  	[sflag:s20] =	ssyncadd.s32 $0xFFFFFF80  }
0x4a: {  	[tilespmem:s19], [sflag:$0x1] =	stream.indirect.gather [hbm4b:s5+s23], $0x80, s21, s23, $0xb8;
	[tilespmem:$0x18100] =	vst v63  }
0x4b: {  	_ =	swait.ge [sflag:s24], $0x4000  }
.Ltmp0:
0x4c: {  	[sflag:s24] =	ssyncset.done $0x0;
	(pc) =	sbr.rel @p0 .LBB2_2-.Ltmp0, $4  }
0x4d: {  	[sflag:s24] =	ssyncadd.s32 $0xFFFFC000  }
0x4e: {  	[spmem:s2] =	stream.indirect.scatter.add.f32 [tilespmem:s19], [sflag:$0x2], $0x80, s22, s23, $0xb8;
	[tilespmem:$0x18100] =	vst v63  }
0x4f: {  	_ =	swait.ge [sflag:s20], $0x4000  }
0x50: {  	s28 =	smov.u32 s31;
	[sflag:s20] =	ssyncset.done $0x0  }
0x51: {  	s28 =	sadd.s32 s26, s18;
	[sflag:s20] =	ssyncadd.s32 $0xFFFFC000  }
0x52: {  	[tilespmem:s21], [sflag:$0x2] =	stream.linear.gather [hbm4b:s28+s3], $0x80, $0x38;
	[tilespmem:$0x18100] =	vst v63  }
0x53: {  	_ =	swait.ge [sflag:s20], $0x80  }
0x54: {  	[sflag:s20] =	ssyncset.done $0x0  }
0x55: {  	s31 =	sadd.s32 s26, s17;
	[sflag:s20] =	ssyncadd.s32 $0xFFFFFF80  }
0x56: {  	[tilespmem:s22], [sflag:$0x2] =	stream.linear.gather [hbm4b:s31+s3], $0x80, $0x38;
	[tilespmem:$0x18100] =	vst v63  }
0x57: {  	_ =	swait.ge [sflag:s20], $0x80  }
0x58: {  	[sflag:s20] =	ssyncset.done $0x0  }
0x59: {  	[sflag:s20] =	ssyncadd.s32 $0xFFFFFF80  }
0x5a: {  	[tilespmem:s19], [sflag:$0x1] =	stream.indirect.gather [hbm4b:s5+s23], $0x80, s21, s23, $0xb8;
	[tilespmem:$0x18100] =	vst v63  }
0x5b: {  	_ =	swait.ge [sflag:s24], $0x4000  }
0x5c: {  	[sflag:s24] =	ssyncset.done $0x0  }
0x5d: {  	[sflag:s24] =	ssyncadd.s32 $0xFFFFC000  }
0x5e: {  	[spmem:s2] =	stream.indirect.scatter.add.f32 [tilespmem:s19], [sflag:$0x2], $0x80, s22, s23, $0xb8;
	[tilespmem:$0x18100] =	vst v63  }
0x5f: {  	_ =	swait.ge [sflag:s20], $0x4000  }
0x60: {  	[sflag:s20] =	ssyncset.done $0x0  }
0x61: {  	[sflag:s20] =	ssyncadd.s32 $0xFFFFC000  }
0x62: {  	[bflag:$0x0] =	sbarrier.arrive $0xFFFF  }
0x63: {  	[tilespmem:s19], [sflag:$0x2] =	stream.linear.gather [spmem:s6], $0x4000, $0x38;
	[tilespmem:$0x18100] =	vst v63  }
0x64: {  	_ =	swait.ge [sflag:s20], $0x4000  }
0x65: {  	[sflag:s20] =	ssyncset.done $0x0  }
0x66: {  	[sflag:s20] =	ssyncadd.s32 $0xFFFFC000  }
0x67: {  	[hbm4b:s11+s3] =	stream.linear.scatter [tilespmem:s19], [sflag:$0x2], $0x4000, $0x38;
	[tilespmem:$0x18100] =	vst v63  }
0x68: {  	_ =	swait.ge [sflag:s20], $0x4000  }
0x69: {  	[sflag:s20] =	ssyncset.done $0x0  }
0x6a: {  	[sflag:s20] =	ssyncadd.s32 $0xFFFFC000  }
0x6b: {  	[tilespmem:s19], [sflag:$0x2] =	stream.linear.gather [spmem:s7], $0x4000, $0x38;
	[tilespmem:$0x18100] =	vst v63  }
0x6c: {  	_ =	swait.ge [sflag:s20], $0x4000  }
0x6d: {  	[sflag:s20] =	ssyncset.done $0x0  }
0x6e: {  	[sflag:s20] =	ssyncadd.s32 $0xFFFFC000  }
0x6f: {  	[hbm4b:s12+s3] =	stream.linear.scatter [tilespmem:s19], [sflag:$0x2], $0x4000, $0x38;
	[tilespmem:$0x18100] =	vst v63  }
0x70: {  	_ =	swait.ge [sflag:s20], $0x4000  }
0x71: {  	[sflag:s20] =	ssyncset.done $0x0  }
0x72: {  	[sflag:s20] =	ssyncadd.s32 $0xFFFFC000  }
0x73: {  	[tilespmem:s19], [sflag:$0x2] =	stream.linear.gather [spmem:s8], $0x4000, $0x38;
	[tilespmem:$0x18100] =	vst v63  }
0x74: {  	_ =	swait.ge [sflag:s20], $0x4000  }
0x75: {  	[sflag:s20] =	ssyncset.done $0x0  }
0x76: {  	[sflag:s20] =	ssyncadd.s32 $0xFFFFC000  }
0x77: {  	[hbm4b:s13+s3] =	stream.linear.scatter [tilespmem:s19], [sflag:$0x2], $0x4000, $0x38;
	[tilespmem:$0x18100] =	vst v63  }
0x78: {  	_ =	swait.ge [sflag:s20], $0x4000  }
0x79: {  	[sflag:s20] =	ssyncset.done $0x0  }
0x7a: {  	[sflag:s20] =	ssyncadd.s32 $0xFFFFC000  }
0x7b: {  	[tilespmem:s19], [sflag:$0x2] =	stream.linear.gather [spmem:s9], $0x4000, $0x38;
	[tilespmem:$0x18100] =	vst v63  }
0x7c: {  	_ =	swait.ge [sflag:s20], $0x4000  }
0x7d: {  	[sflag:s20] =	ssyncset.done $0x0  }
0x7e: {  	[sflag:s20] =	ssyncadd.s32 $0xFFFFC000  }
0x7f: {  	[hbm4b:s14+s3] =	stream.linear.scatter [tilespmem:s19], [sflag:$0x2], $0x4000, $0x38;
	[tilespmem:$0x18100] =	vst v63  }
0x80: {  	_ =	swait.ge [sflag:s20], $0x4000  }
0x81: {  	[sflag:s20] =	ssyncset.done $0x0  }
0x82: {  	[sflag:s20] =	ssyncadd.s32 $0xFFFFC000  }
0x83: {  	[tilespmem:s19], [sflag:$0x2] =	stream.linear.gather [spmem:s10], $0x4000, $0x38;
	[tilespmem:$0x18100] =	vst v63  }
0x84: {  	s25 =	sadd.s32 $0x1, s25;
	_ =	swait.ge [sflag:s20], $0x4000  }
0x85: {  	p0 =	sne.s32 s25, s16;
	[sflag:s20] =	ssyncset.done $0x0  }
.Ltmp1:
0x86: {  	[sflag:s20] =	ssyncadd.s32 $0xFFFFC000;
	(pc) =	sbr.rel @p0 .LBB2_1-.Ltmp1, $4  }
0x87: {  	[hbm4b:s15+s3] =	stream.linear.scatter [tilespmem:s19], [sflag:$0x2], $0x4000, $0x38;
	[tilespmem:$0x18100] =	vst v63  }
0x88: {  	_ =	swait.ge [sflag:s20], $0x4000  }
0x89: {  	[sflag:s20] =	ssyncset.done $0x0  }
0x8a: {  	[sflag:s20] =	ssyncadd.s32 $0xFFFFC000  }
0x8b: {  	_ =	sfence.sel $0x180000  }
0x8c: {  	[bflag:$0x0] =	sbarrier.arrive $0xFFFF  }
0x8d: {  	p0 =	sne.s32 s4, $0x0;
	_ =	strace $0x9000004A  }
0x8e: {  	s0 =	sadd.s32 @!p0 $0x100000, s0;
	[bflag:$0x2] =	sbarrier.arrive $0xFFFF  }
0x8f: {  	[sflag:s0] =	ssyncadd.tile.s32 @!p0 $0x1;
	_ =	shalt  }
.Lfunc_end2:
_tile_overlayer_lowered:
.L_overlay_start_2:
0x90: {  	(tag) =	ssettag $0x2  }
0x91: {  	s0 =	rddreg [dreg:$0x0];
	s2 =	stileid.u32  }
0x92: {  	s1 =	rddreg [dreg:$0x1];
	p0 =	sne.s32 s2, $0x0  }
0x93: {  	s3 =	rddreg [dreg:$0x2];
	[bflag:$0x3] =	sbarrier.arrive $0xFFFF;
	s2 =	simm.s32 @!p0 $0x1C02  }
0x94: {  	[timem:s3], [sflag:s2] =	dma.local @!p0 [hbm:s0], s1  }
0x95: {  	s0 =	simm.s32 @!p0 $0x2  }
0x96: {  	_ =	swait.ge @!p0 [sflag:s0], s1  }
0x97: {  	s1 =	ssub.s32 @!p0 $0x0, s1;
	[sflag:s0] =	ssyncset.done @!p0 $0x0  }
0x98: {  	[sflag:s0] =	ssyncadd.s32 @!p0 s1  }
0x99: {  	[bflag:$0x3] =	sbarrier.arrive $0xFFFF  }
0x9a: {  	_ =	shalt  }

// kernel: kernel.14.cloned.1.call-start
scs
__scs_entry_jumppad:
0x0: {  	(pc) =	sbr.rel $0x88, $3  }
0x1: {  	(tag) =	ssettag $0x0;
	lr =	simm.s32 $0x1  }
0x2: {  	[smem:$0x3F9B] =	sst lr;
	_ =	strace $0xD0000000  }
0x3: {  	_ = 	snop  }
0x4: {  	_ = 	snop  }
0x5: {  	_ = 	snop  }
0x6: {  	_ = 	snop  }
0x7: {  	_ = 	snop  }
__scs_overlays_trampoline_lowered:
0x8: {  	[smem:$0x3FAA] =	sst s0  }
0x9: {  	[smem:$0x3FAB] =	sst s1  }
0xa: {  	[smem:$0x3FAC] =	sst s2  }
0xb: {  	[smem:$0x3FAD] =	sst s3  }
0xc: {  	[smem:$0x3FAE] =	sst s4  }
0xd: {  	[smem:$0x3FAF] =	sst s5  }
0xe: {  	[smem:$0x3FB0] =	sst s6  }
0xf: {  	[smem:$0x3FB1] =	sst s7  }
0x10: {  	[smem:$0x3FB2] =	sst s8  }
0x11: {  	[smem:$0x3FB3] =	sst s9;
	s0 =	simm.s32 @!p0 $0x0  }
0x12: {  	s1 =	sld [smem:$0x3F99];
	s0 =	simm.s32 @p0 $0x1  }
0x13: {  	[smem:$0x3FB4] =	sst s0;
	s0 =	simm.s32 @!p1 $0x0  }
0x14: {  	s2 =	sld [smem:$0x3F98];
	s0 =	simm.s32 @p1 $0x1  }
0x15: {  	[smem:$0x3FB5] =	sst s0;
	s0 =	simm.s32 @!p2 $0x0  }
0x16: {  	s3 =	sld [smem:$0x3FDB];
	s0 =	simm.s32 @p2 $0x1  }
0x17: {  	s4 =	simm.s32 $0x1BF5;
	[smem:$0x3FB7] =	sst s0  }
0x18: {  	s0 =	sld [smem:$0x3F9A];
	_ =	swait.ge [sflag:s4], $0x0  }
0x19: {  	s7 =	sld [smem:$0x3F9B]  }
0x1a: {  	s8 =	sadd.s32 $0xFFFFE003, lr  }
0x1b: {  	s9 =	sadd.s32 $0xFFFFFEF7, lr;
	s5 =	simm.s32 $0xFFFFFFFF;
	p2 =	slt.u32 s8, $0xFFFFF086  }
0x1c: {  	p1 =	slt.u32 s9, $0xF7A;
	s5 =	simm.s32 @!p2 $0x0  }
0x1d: {  	s5 =	simm.s32 @p1 $0x1;
	p0 =	seq.s32 s7, s2  }
0x1e: {  	s7 =	smul.u32 @!p0 $0xF7A, s2;
	p2 =	seq.s32 @!p0 s5, $0x0  }
0x1f: {  	s9 =	smul.u32 $0xF7A, s1;
	s8 =	simm.s32 @!p0 $0x1BF5;
	p2 =	por !p2, p0  }
0x20: {  	[sflag:s8] =	ssyncset.s32 @!p0 $0xFFFFF086;
	s6 =	sadd.s32 @!p0 s3, s7;
	s7 =	simm.s32 @!p0 $0x108  }
0x21: {  	s3 =	sadd.s32 s3, s9;
	s6 =	sadd.s32 @!p0 $0x88, s6;
	s7 =	simm.s32 @p2 $0x1082  }
0x22: {  	[simem:s7], [sflag:s8] =	dma.local @!p0 [hbm:s6], $0xF7A  }
0x23: {  	s9 =	sor.u32 $0xD0000000, s2;
	s6 =	simm.s32 $0x108;
	_ =	swait.ge @!p0 [sflag:s8], $0x0  }
0x24: {  	s3 =	sadd.s32 $0x88, s3;
	s6 =	simm.s32 @!p1 $0x1082;
	[sflag:s4] =	ssyncset.s32 $0xFFFFF086  }
0x25: {  	[simem:s6], [sflag:s4] =	dma.local [hbm:s3], $0xF7A  }
0x26: {  	[smem:$0x3F9B] =	sst s1;
	(tag) =	ssettag s2;
	_ =	strace s9  }
0x27: {  	s1 =	sld [smem:$0x3FAB]  }
0x28: {  	s2 =	sld [smem:$0x3FAC]  }
0x29: {  	s4 =	sld [smem:$0x3FAE]  }
0x2a: {  	p0 =	seq.s32 s5, $0x0;
	s5 =	sld [smem:$0x3FAF]  }
0x2b: {  	s6 =	sld [smem:$0x3FB0]  }
0x2c: {  	s7 =	sld [smem:$0x3FB1]  }
0x2d: {  	s3 =	simm.s32 $0x108;
	s8 =	sld [smem:$0x3FB2]  }
0x2e: {  	s3 =	simm.s32 @!p0 $0x1082;
	s9 =	sld [smem:$0x3FB3]  }
0x2f: {  	lr =	sadd.s32 s0, s3;
	s0 =	sld [smem:$0x3FAA]  }
0x30: {  	s3 =	sld [smem:$0x3FAD]  }
0x31: {  	[smem:$0x3FB6] =	sst s10  }
0x32: {  	s10 =	sld [smem:$0x3FB4];
	_ =	sdelay $0x3  }
0x33: {  	p0 =	seq.s32 s10, $0x1;
	s10 =	sld [smem:$0x3FB6];
	_ =	sdelay $0x3  }
0x34: {  	[smem:$0x3FB6] =	sst s10  }
0x35: {  	s10 =	sld [smem:$0x3FB5];
	_ =	sdelay $0x3  }
0x36: {  	p1 =	seq.s32 s10, $0x1;
	s10 =	sld [smem:$0x3FB6];
	_ =	sdelay $0x3  }
0x37: {  	[smem:$0x3FB6] =	sst s10  }
0x38: {  	s10 =	sld [smem:$0x3FB7]  }
0x39: {  	_ = 	snop;
	(pc) =	sbr.ind lr, $3  }
0x3a: {  	_ = 	snop  }
0x3b: {  	_ = 	snop  }
0x3c: {  	p2 =	seq.s32 s10, $0x1;
	s10 =	sld [smem:$0x3FB6]  }
0x3d: {  	_ =	shalt  }
0x3e: {  	_ =	shalt  }
0x3f: {  	_ =	shalt  }
0x40: {  	_ =	shalt  }
0x41: {  	_ =	shalt  }
0x42: {  	_ =	shalt  }
0x43: {  	_ =	shalt  }
0x44: {  	_ =	shalt  }
0x45: {  	_ =	shalt  }
0x46: {  	_ =	shalt  }
0x47: {  	_ =	shalt  }
0x48: {  	_ =	shalt  }
0x49: {  	_ =	shalt  }
0x4a: {  	_ =	shalt  }
0x4b: {  	_ =	shalt  }
0x4c: {  	_ =	shalt  }
0x4d: {  	_ =	shalt  }
0x4e: {  	_ =	shalt  }
0x4f: {  	_ =	shalt  }
0x50: {  	_ =	shalt  }
0x51: {  	_ =	shalt  }
0x52: {  	_ =	shalt  }
0x53: {  	_ =	shalt  }
0x54: {  	_ =	shalt  }
0x55: {  	_ =	shalt  }
0x56: {  	_ =	shalt  }
0x57: {  	_ =	shalt  }
0x58: {  	_ =	shalt  }
0x59: {  	_ =	shalt  }
0x5a: {  	_ =	shalt  }
0x5b: {  	_ =	shalt  }
0x5c: {  	_ =	shalt  }
0x5d: {  	_ =	shalt  }
0x5e: {  	_ =	shalt  }
0x5f: {  	_ =	shalt  }
0x60: {  	_ =	shalt  }
0x61: {  	_ =	shalt  }
0x62: {  	_ =	shalt  }
0x63: {  	_ =	shalt  }
0x64: {  	_ =	shalt  }
0x65: {  	_ =	shalt  }
0x66: {  	_ =	shalt  }
0x67: {  	_ =	shalt  }
0x68: {  	_ =	shalt  }
0x69: {  	_ =	shalt  }
0x6a: {  	_ =	shalt  }
0x6b: {  	_ =	shalt  }
0x6c: {  	_ =	shalt  }
0x6d: {  	_ =	shalt  }
0x6e: {  	_ =	shalt  }
0x6f: {  	_ =	shalt  }
0x70: {  	_ =	shalt  }
0x71: {  	_ =	shalt  }
0x72: {  	_ =	shalt  }
0x73: {  	_ =	shalt  }
0x74: {  	_ =	shalt  }
0x75: {  	_ =	shalt  }
0x76: {  	_ =	shalt  }
0x77: {  	_ =	shalt  }
0x78: {  	_ =	shalt  }
0x79: {  	_ =	shalt  }
0x7a: {  	_ =	shalt  }
0x7b: {  	_ =	shalt  }
0x7c: {  	_ =	shalt  }
0x7d: {  	_ =	shalt  }
0x7e: {  	_ =	shalt  }
0x7f: {  	_ =	shalt  }
0x80: {  	_ =	shalt  }
0x81: {  	_ =	shalt  }
0x82: {  	_ =	shalt  }
0x83: {  	_ =	shalt  }
0x84: {  	_ =	shalt  }
0x85: {  	_ =	shalt  }
0x86: {  	_ =	shalt  }
0x87: {  	_ =	shalt  }
.Lfunc_end0:
.L_simem_size_0:
called_computation.2_lowered:
.L_overlay_start_0:
0x88: {  	s2 =	sld [smem:$0x3FD9]  }
0x89: {  	s3 =	sld [smem:$0x3FFE];
	_ =	sdelay $0x1  }
0x8a: {  	s1 =	srdreg.scid  }
0x8b: {  	s0 =	sand.u32 $0x1, s1  }
0x8c: {  	s17 =	sshll.u32 s0, $0xA;
	s2 =	sadd.s32 s3, s2  }
0x8d: {  	s2 =	sadd.s32 s2, s17  }
0x8e: {  	[smem:$0x3FC2] =	sst s2  }
0x8f: {  	_ = 	snop  }
0x90: {  	s2 =	sld [smem:$0x3FD0];
	(tm) =	ssettm $0x1  }
0x91: {  	s18 =	sld [smem:$0x3FFB];
	_ =	sdelay $0x3  }
0x92: {  	_ =	strace s18  }
0x93: {  	s3 =	sld [smem:$0x3FFC];
	_ =	sdelay $0x3  }
0x94: {  	_ =	strace s3  }
0x95: {  	s3 =	sld [smem:$0x3FFD];
	_ =	sdelay $0x3  }
0x96: {  	_ =	strace s3  }
0x97: {  	_ =	strace $0x8FFFFFFF  }
0x98: {  	s19 =	sld [smem:$0x3FDB];
	_ =	sdelay $0x1  }
0x99: {  	s4 =	simm.s32 $_scs_section_size  }
0x9a: {  	s5 =	simm.s32 $_size__tile_overlayer_lowered;
	s6 =	simm.s32 $_tile_overlayer_lowered  }
0x9b: {  	s22 =	simm.s32 $0x1BFF;
	s21 =	sshll.u32 s6, $0x1;
	s3 =	sadd.s32 s4, s19  }
0x9c: {  	s7 =	simm.s32 $0x0;
	s20 =	sshll.u32 s5, $0x1;
	s5 =	sadd.s32 s21, s3  }
0x9d: {  	[timem:s7], [sflag:s22] =	dma.local [hbm:s5], s20  }
0x9e: {  	_ =	swait.ge [sflag:s22], s20  }
0x9f: {  	s4 =	ssub.s32 $0x0, s20;
	[sflag:s22] =	ssyncset.done $0x0  }
0xa0: {  	[sflag:s22] =	ssyncadd.s32 s4;
	_ =	sdelay $0x1  }
0xa1: {  	s23 =	simm.s32 $0x1B8B  }
0xa2: {  	_ =	swait.ge [sflag:s23], $0x1  }
0xa3: {  	[sflag:s23] =	ssyncset.done $0x0  }
0xa4: {  	s25 =	simm.s32 $0x1B8E;
	s24 =	sld [smem:$0x3FFE];
	[sflag:s23] =	ssyncadd.s32 $0xFFFFFFFF  }
0xa5: {  	s26 =	simm.s32 $execute0_lowered;
	[smem:$0x3FD2] =	sst s25  }
0xa6: {  	s5 =	sshll.u32 s26, $0x1;
	_ =	strace $0x8000004C;
	[dreg:$0x1] =	wrdreg $0xFFFFFFFF  }
0xa7: {  	s28 =	simm.s32 $_size_execute0_lowered;
	s3 =	sadd.s32 s3, s5;
	[dreg:$0x0] =	wrdreg $0x0  }
0xa8: {  	s5 =	sshll.u32 s28, $0x1;
	[dreg:$0x2] =	wrdreg s3  }
0xa9: {  	[dreg:$0x3] =	wrdreg s5  }
0xaa: {  	[dreg:$0x4] =	wrdreg $0xC0  }
0xab: {  	_ =	task [dreg:s7], $0x5FFFF  }
0xac: {  	[dreg:$0x1] =	wrdreg $0xFFFFFFFF  }
0xad: {  	[dreg:$0x0] =	wrdreg $0x60  }
0xae: {  	[dreg:$0x2] =	wrdreg s24  }
0xaf: {  	[dreg:$0x3] =	wrdreg s2  }
0xb0: {  	[dreg:$0x4] =	wrdreg $0x0  }
0xb1: {  	[dreg:$0x5] =	wrdreg $0x9  }
0xb2: {  	_ =	task.clear_ibuf [dreg:s7], $0x6FFFF;
	_ =	strace $0x9000004C  }
0xb3: {  	s29 =	simm.s32 $0x9;
	_ =	strace $0x8000004E  }
0xb4: {  	_ =	swait.ge [sflag:s29], $0x1  }
0xb5: {  	[sflag:s29] =	ssyncadd.s32 $0xFFFFFFFF  }
0xb6: {  	_ =	strace $0x9000004E  }
0xb7: {  	_ =	sfence  }
0xb8: {  	s30 =	sld [smem:$0x0];
	_ =	sdelay $0x2  }
0xb9: {  	s31 =	sshll.u32 s1, $0xD;
	s1 =	sshrl.u32 s1, $0x2  }
0xba: {  	s3 =	sand.u32 $0x4000, s31;
	s1 =	sadd.s32 s1, s30  }
0xbb: {  	s0 =	sor.u32 s3, s0;
	s1 =	sshll.u32 s1, $0x11  }
0xbc: {  	s0 =	sor.u32 s1, s0  }
0xbd: {  	s0 =	sadd.s32 $0x8F2B, s0  }
0xbe: {  	[sflag:s0] =	ssyncadd.remote.s32 $0x1  }
0xbf: {  	_ =	sfence.sel $0xFFFF  }
0xc0: {  	[dreg:$0x0] =	wrdreg $0xFFFFFFFF;
	(pc) =	sbr.abs _section_cstart, $3  }
0xc1: {  	[dreg:$0x1] =	wrdreg $0xFFFFFFFF  }
0xc2: {  	_ =	task.clear_ibuf [dreg:s7], $0x2FFFF;
	_ =	strace $0x9FFFFFFF  }
0xc3: {  	(tm) =	ssettm $0x7FFFFFFF  }
tec
execute0_lowered:
.L_overlay_start_1:
0x0: {  	(tag) =	ssettag $0x1  }
0x1: {  	s6 =	rddreg [dreg:$0x0]  }
0x2: {  	s1 =	rddreg [dreg:$0x1]  }
0x3: {  	s2 =	rddreg [dreg:$0x2]  }
0x4: {  	s0 =	rddreg [dreg:$0x3];
	s3 =	simm.s32 $0x0;
	s4 =	srdreg.scid  }
0x5: {  	[smem:$0x7FF] =	sst s3;
	s8 =	sand.u32 $0x1, s4  }
0x6: {  	s4 =	stileid.u32;
	s7 =	smul.u32 $0x4F00, s8  }
0x7: {  	s5 =	sadd.s32 $0x16800, s6;
	s15 =	sadd.s32 $0x3E800, s6;
	s10 =	smul.u32 $0x280, s4  }
0x8: {  	_ =	strace $0x8000004D;
	s18 =	ssub.s32 $0x2, s8;
	s9 =	smul.u32 $0x50000, s4  }
0x9: {  	s14 =	smul.u32 $0x2800, s8;
	s19 =	sshrl.u32 s18, $0x1;
	s17 =	sadd.s32 s7, s6  }
0xa: {  	s11 =	sadd.s32 $0x80, s10;
	s16 =	ssub.s32 s18, s19;
	s20 =	sshrl.u32 s9, $0x2  }
0xb: {  	s12 =	sadd.s32 $0x100, s10;
	s13 =	sadd.s32 $0x180, s10;
	s18 =	sadd.s32 $0x200, s10  }
0xc: {  	s21 =	sshll.u32 s11, $0x7;
	s6 =	sadd.s32 s20, s2;
	s22 =	sshll.u32 s12, $0x7  }
0xd: {  	s23 =	sshll.u32 s13, $0x7;
	s19 =	sshll.u32 s18, $0x7;
	s20 =	sadd.s32 s10, s14  }
0xe: {  	s25 =	sadd.s32 s14, s11;
	s28 =	sadd.s32 s14, s12;
	s13 =	sadd.s32 s14, s13  }
0xf: {  	s18 =	sadd.s32 s14, s18;
	s16 =	smax.u32 s16, $0x1;
	s7 =	sadd.s32 s21, s2  }
0x10: {  	s8 =	sadd.s32 s22, s2;
	s9 =	sadd.s32 s23, s2;
	s10 =	sadd.s32 s19, s2  }
0x11: {  	s24 =	sshll.u32 s20, $0x4;
	s26 =	sshll.u32 s25, $0x4;
	s29 =	sshll.u32 s28, $0x4  }
0x12: {  	s30 =	sshll.u32 s13, $0x4;
	s21 =	smul.u32 $0x4F0, s4;
	s18 =	sshll.u32 s18, $0x4  }
0x13: {  	s19 =	simm.s32 $0x14000;
	s20 =	simm.s32 $0x2;
	s22 =	simm.s32 $0x18080  }
0x14: {  	s23 =	simm.s32 $0x80;
	s25 =	simm.s32 $0x0;
	s11 =	sadd.s32 s15, s24  }
0x15: {  	s12 =	sadd.s32 s15, s26;
	s13 =	sadd.s32 s15, s29;
	s14 =	sadd.s32 s15, s30  }
0x16: {  	s15 =	sadd.s32 s15, s18;
	s24 =	simm.s32 $0x1;
	s31 =	sadd.s32 s21, s17  }
0x17: {  	s21 =	simm.s32 $0x18000;
	s17 =	sadd.s32 $0x2600, s31;
	s18 =	sadd.s32 $0xCA00, s31  }
.LBB2_1:
0x18: {  	[tilespmem:s19], [sflag:$0x2] =	stream.linear.gather [hbm4b:s1+s3], $0x4000, $0x38;
	[tilespmem:$0x18100] =	vst v63  }
0x19: {  	_ =	swait.ge [sflag:s20], $0x4000  }
0x1a: {  	[sflag:s20] =	ssyncset.done $0x0  }
0x1b: {  	[sflag:s20] =	ssyncadd.s32 $0xFFFFC000  }
0x1c: {  	[spmem:s6] =	stream.linear.scatter [tilespmem:s19], [sflag:$0x2], $0x4000, $0x38;
	[tilespmem:$0x18100] =	vst v63  }
0x1d: {  	_ =	swait.ge [sflag:s20], $0x4000  }
0x1e: {  	[sflag:s20] =	ssyncset.done $0x0  }
0x1f: {  	[sflag:s20] =	ssyncadd.s32 $0xFFFFC000  }
0x20: {  	[spmem:s7] =	stream.linear.scatter [tilespmem:s19], [sflag:$0x2], $0x4000, $0x38;
	[tilespmem:$0x18100] =	vst v63  }
0x21: {  	_ =	swait.ge [sflag:s20], $0x4000  }
0x22: {  	[sflag:s20] =	ssyncset.done $0x0  }
0x23: {  	[sflag:s20] =	ssyncadd.s32 $0xFFFFC000  }
0x24: {  	[spmem:s8] =	stream.linear.scatter [tilespmem:s19], [sflag:$0x2], $0x4000, $0x38;
	[tilespmem:$0x18100] =	vst v63  }
0x25: {  	_ =	swait.ge [sflag:s20], $0x4000  }
0x26: {  	[sflag:s20] =	ssyncset.done $0x0  }
0x27: {  	[sflag:s20] =	ssyncadd.s32 $0xFFFFC000  }
0x28: {  	[spmem:s9] =	stream.linear.scatter [tilespmem:s19], [sflag:$0x2], $0x4000, $0x38;
	[tilespmem:$0x18100] =	vst v63  }
0x29: {  	_ =	swait.ge [sflag:s20], $0x4000  }
0x2a: {  	[sflag:s20] =	ssyncset.done $0x0  }
0x2b: {  	[sflag:s20] =	ssyncadd.s32 $0xFFFFC000  }
0x2c: {  	[spmem:s10] =	stream.linear.scatter [tilespmem:s19], [sflag:$0x2], $0x4000, $0x38;
	[tilespmem:$0x18100] =	vst v63  }
0x2d: {  	_ =	swait.ge [sflag:s20], $0x4000  }
0x2e: {  	[sflag:s20] =	ssyncset.done $0x0  }
0x2f: {  	[sflag:s20] =	ssyncadd.s32 $0xFFFFC000  }
0x30: {  	s26 =	sadd.s32 $0x0, s18;
	[bflag:$0x0] =	sbarrier.arrive $0xFFFF  }
0x31: {  	[tilespmem:s21], [sflag:$0x2] =	stream.linear.gather [hbm4b:s26+s3], $0x80, $0x38;
	[tilespmem:$0x18100] =	vst v63  }
0x32: {  	_ =	swait.ge [sflag:s20], $0x80  }
0x33: {  	[sflag:s20] =	ssyncset.done $0x0  }
0x34: {  	s31 =	sadd.s32 $0x0, s17;
	[sflag:s20] =	ssyncadd.s32 $0xFFFFFF80  }
0x35: {  	[tilespmem:s22], [sflag:$0x2] =	stream.linear.gather [hbm4b:s31+s3], $0x80, $0x38;
	[tilespmem:$0x18100] =	vst v63  }
0x36: {  	_ =	swait.ge [sflag:s20], $0x80  }
0x37: {  	[sflag:s20] =	ssyncset.done $0x0  }
0x38: {  	[sflag:s20] =	ssyncadd.s32 $0xFFFFFF80  }
0x39: {  	[tilespmem:s19], [sflag:$0x1] =	stream.indirect.gather [hbm4b:s5+s23], $0x80, s21, s23, $0xb8;
	[tilespmem:$0x18100] =	vst v63  }
0x3a: {  	_ =	swait.ge [sflag:s24], $0x4000  }
0x3b: {  	[sflag:s24] =	ssyncset.done $0x0  }
0x3c: {  	[sflag:s24] =	ssyncadd.s32 $0xFFFFC000  }
0x3d: {  	[spmem:s2] =	stream.indirect.scatter.add.f32 [tilespmem:s19], [sflag:$0x2], $0x80, s22, s23, $0xb8;
	[tilespmem:$0x18100] =	vst v63  }
0x3e: {  	_ =	swait.ge [sflag:s20], $0x4000  }
0x3f: {  	s28 =	simm.s32 $0x20;
	s26 =	simm.s32 $0x10;
	[sflag:s20] =	ssyncset.done $0x0  }
.LBB2_2:
0x40: {  	s29 =	sadd.s32 s26, s18  }
0x41: {  	[sflag:s20] =	ssyncadd.s32 $0xFFFFC000;
	s30 =	smov.u32 s28;
	s31 =	sadd.s32 $0x10, s28  }
0x42: {  	[tilespmem:s21], [sflag:$0x2] =	stream.linear.gather [hbm4b:s29+s3], $0x80, $0x38;
	[tilespmem:$0x18100] =	vst v63  }
0x43: {  	p0 =	sne.s32 s28, $0x4E0;
	_ =	swait.ge [sflag:s20], $0x80  }
0x44: {  	[sflag:s20] =	ssyncset.done $0x0  }
0x45: {  	s28 =	sadd.s32 s26, s17;
	s26 =	smov.u32 s30;
	[sflag:s20] =	ssyncadd.s32 $0xFFFFFF80  }
0x46: {  	[tilespmem:s22], [sflag:$0x2] =	stream.linear.gather [hbm4b:s28+s3], $0x80, $0x38;
	[tilespmem:$0x18100] =	vst v63  }
0x47: {  	_ =	swait.ge [sflag:s20], $0x80  }
0x48: {  	[sflag:s20] =	ssyncset.done $0x0  }
0x49: {  	[sflag:s20] =	ssyncadd.s32 $0xFFFFFF80  }
0x4a: {  	[tilespmem:s19], [sflag:$0x1] =	stream.indirect.gather [hbm4b:s5+s23], $0x80, s21, s23, $0xb8;
	[tilespmem:$0x18100] =	vst v63  }
0x4b: {  	_ =	swait.ge [sflag:s24], $0x4000  }
.Ltmp0:
0x4c: {  	[sflag:s24] =	ssyncset.done $0x0;
	(pc) =	sbr.rel @p0 .LBB2_2-.Ltmp0, $4  }
0x4d: {  	[sflag:s24] =	ssyncadd.s32 $0xFFFFC000  }
0x4e: {  	[spmem:s2] =	stream.indirect.scatter.add.f32 [tilespmem:s19], [sflag:$0x2], $0x80, s22, s23, $0xb8;
	[tilespmem:$0x18100] =	vst v63  }
0x4f: {  	_ =	swait.ge [sflag:s20], $0x4000  }
0x50: {  	s28 =	smov.u32 s31;
	[sflag:s20] =	ssyncset.done $0x0  }
0x51: {  	s28 =	sadd.s32 s26, s18;
	[sflag:s20] =	ssyncadd.s32 $0xFFFFC000  }
0x52: {  	[tilespmem:s21], [sflag:$0x2] =	stream.linear.gather [hbm4b:s28+s3], $0x80, $0x38;
	[tilespmem:$0x18100] =	vst v63  }
0x53: {  	_ =	swait.ge [sflag:s20], $0x80  }
0x54: {  	[sflag:s20] =	ssyncset.done $0x0  }
0x55: {  	s31 =	sadd.s32 s26, s17;
	[sflag:s20] =	ssyncadd.s32 $0xFFFFFF80  }
0x56: {  	[tilespmem:s22], [sflag:$0x2] =	stream.linear.gather [hbm4b:s31+s3], $0x80, $0x38;
	[tilespmem:$0x18100] =	vst v63  }
0x57: {  	_ =	swait.ge [sflag:s20], $0x80  }
0x58: {  	[sflag:s20] =	ssyncset.done $0x0  }
0x59: {  	[sflag:s20] =	ssyncadd.s32 $0xFFFFFF80  }
0x5a: {  	[tilespmem:s19], [sflag:$0x1] =	stream.indirect.gather [hbm4b:s5+s23], $0x80, s21, s23, $0xb8;
	[tilespmem:$0x18100] =	vst v63  }
0x5b: {  	_ =	swait.ge [sflag:s24], $0x4000  }
0x5c: {  	[sflag:s24] =	ssyncset.done $0x0  }
0x5d: {  	[sflag:s24] =	ssyncadd.s32 $0xFFFFC000  }
0x5e: {  	[spmem:s2] =	stream.indirect.scatter.add.f32 [tilespmem:s19], [sflag:$0x2], $0x80, s22, s23, $0xb8;
	[tilespmem:$0x18100] =	vst v63  }
0x5f: {  	_ =	swait.ge [sflag:s20], $0x4000  }
0x60: {  	[sflag:s20] =	ssyncset.done $0x0  }
0x61: {  	[sflag:s20] =	ssyncadd.s32 $0xFFFFC000  }
0x62: {  	[bflag:$0x0] =	sbarrier.arrive $0xFFFF  }
0x63: {  	[tilespmem:s19], [sflag:$0x2] =	stream.linear.gather [spmem:s6], $0x4000, $0x38;
	[tilespmem:$0x18100] =	vst v63  }
0x64: {  	_ =	swait.ge [sflag:s20], $0x4000  }
0x65: {  	[sflag:s20] =	ssyncset.done $0x0  }
0x66: {  	[sflag:s20] =	ssyncadd.s32 $0xFFFFC000  }
0x67: {  	[hbm4b:s11+s3] =	stream.linear.scatter [tilespmem:s19], [sflag:$0x2], $0x4000, $0x38;
	[tilespmem:$0x18100] =	vst v63  }
0x68: {  	_ =	swait.ge [sflag:s20], $0x4000  }
0x69: {  	[sflag:s20] =	ssyncset.done $0x0  }
0x6a: {  	[sflag:s20] =	ssyncadd.s32 $0xFFFFC000  }
0x6b: {  	[tilespmem:s19], [sflag:$0x2] =	stream.linear.gather [spmem:s7], $0x4000, $0x38;
	[tilespmem:$0x18100] =	vst v63  }
0x6c: {  	_ =	swait.ge [sflag:s20], $0x4000  }
0x6d: {  	[sflag:s20] =	ssyncset.done $0x0  }
0x6e: {  	[sflag:s20] =	ssyncadd.s32 $0xFFFFC000  }
0x6f: {  	[hbm4b:s12+s3] =	stream.linear.scatter [tilespmem:s19], [sflag:$0x2], $0x4000, $0x38;
	[tilespmem:$0x18100] =	vst v63  }
0x70: {  	_ =	swait.ge [sflag:s20], $0x4000  }
0x71: {  	[sflag:s20] =	ssyncset.done $0x0  }
0x72: {  	[sflag:s20] =	ssyncadd.s32 $0xFFFFC000  }
0x73: {  	[tilespmem:s19], [sflag:$0x2] =	stream.linear.gather [spmem:s8], $0x4000, $0x38;
	[tilespmem:$0x18100] =	vst v63  }
0x74: {  	_ =	swait.ge [sflag:s20], $0x4000  }
0x75: {  	[sflag:s20] =	ssyncset.done $0x0  }
0x76: {  	[sflag:s20] =	ssyncadd.s32 $0xFFFFC000  }
0x77: {  	[hbm4b:s13+s3] =	stream.linear.scatter [tilespmem:s19], [sflag:$0x2], $0x4000, $0x38;
	[tilespmem:$0x18100] =	vst v63  }
0x78: {  	_ =	swait.ge [sflag:s20], $0x4000  }
0x79: {  	[sflag:s20] =	ssyncset.done $0x0  }
0x7a: {  	[sflag:s20] =	ssyncadd.s32 $0xFFFFC000  }
0x7b: {  	[tilespmem:s19], [sflag:$0x2] =	stream.linear.gather [spmem:s9], $0x4000, $0x38;
	[tilespmem:$0x18100] =	vst v63  }
0x7c: {  	_ =	swait.ge [sflag:s20], $0x4000  }
0x7d: {  	[sflag:s20] =	ssyncset.done $0x0  }
0x7e: {  	[sflag:s20] =	ssyncadd.s32 $0xFFFFC000  }
0x7f: {  	[hbm4b:s14+s3] =	stream.linear.scatter [tilespmem:s19], [sflag:$0x2], $0x4000, $0x38;
	[tilespmem:$0x18100] =	vst v63  }
0x80: {  	_ =	swait.ge [sflag:s20], $0x4000  }
0x81: {  	[sflag:s20] =	ssyncset.done $0x0  }
0x82: {  	[sflag:s20] =	ssyncadd.s32 $0xFFFFC000  }
0x83: {  	[tilespmem:s19], [sflag:$0x2] =	stream.linear.gather [spmem:s10], $0x4000, $0x38;
	[tilespmem:$0x18100] =	vst v63  }
0x84: {  	s25 =	sadd.s32 $0x1, s25;
	_ =	swait.ge [sflag:s20], $0x4000  }
0x85: {  	p0 =	sne.s32 s25, s16;
	[sflag:s20] =	ssyncset.done $0x0  }
.Ltmp1:
0x86: {  	[sflag:s20] =	ssyncadd.s32 $0xFFFFC000;
	(pc) =	sbr.rel @p0 .LBB2_1-.Ltmp1, $4  }
0x87: {  	[hbm4b:s15+s3] =	stream.linear.scatter [tilespmem:s19], [sflag:$0x2], $0x4000, $0x38;
	[tilespmem:$0x18100] =	vst v63  }
0x88: {  	_ =	swait.ge [sflag:s20], $0x4000  }
0x89: {  	[sflag:s20] =	ssyncset.done $0x0  }
0x8a: {  	[sflag:s20] =	ssyncadd.s32 $0xFFFFC000  }
0x8b: {  	_ =	sfence.sel $0x180000  }
0x8c: {  	[bflag:$0x0] =	sbarrier.arrive $0xFFFF  }
0x8d: {  	p0 =	sne.s32 s4, $0x0;
	_ =	strace $0x9000004D  }
0x8e: {  	s0 =	sadd.s32 @!p0 $0x100000, s0;
	[bflag:$0x2] =	sbarrier.arrive $0xFFFF  }
0x8f: {  	[sflag:s0] =	ssyncadd.tile.s32 @!p0 $0x1;
	_ =	shalt  }
.Lfunc_end2:
_tile_overlayer_lowered:
.L_overlay_start_2:
0x90: {  	(tag) =	ssettag $0x2  }
0x91: {  	s0 =	rddreg [dreg:$0x0];
	s2 =	stileid.u32  }
0x92: {  	s1 =	rddreg [dreg:$0x1];
	p0 =	sne.s32 s2, $0x0  }
0x93: {  	s3 =	rddreg [dreg:$0x2];
	[bflag:$0x3] =	sbarrier.arrive $0xFFFF;
	s2 =	simm.s32 @!p0 $0x1C02  }
0x94: {  	[timem:s3], [sflag:s2] =	dma.local @!p0 [hbm:s0], s1  }
0x95: {  	s0 =	simm.s32 @!p0 $0x2  }
0x96: {  	_ =	swait.ge @!p0 [sflag:s0], s1  }
0x97: {  	s1 =	ssub.s32 @!p0 $0x0, s1;
	[sflag:s0] =	ssyncset.done @!p0 $0x0  }
0x98: {  	[sflag:s0] =	ssyncadd.s32 @!p0 s1  }
0x99: {  	[bflag:$0x3] =	sbarrier.arrive $0xFFFF  }
0x9a: {  	_ =	shalt  }

// kernel: kernel.8.cloned.1.call-start
scs
__scs_entry_jumppad:
0x0: {  	(pc) =	sbr.rel $0x88, $3  }
0x1: {  	(tag) =	ssettag $0x0;
	lr =	simm.s32 $0x1  }
0x2: {  	[smem:$0x3F9B] =	sst lr;
	_ =	strace $0xD0000000  }
0x3: {  	_ = 	snop  }
0x4: {  	_ = 	snop  }
0x5: {  	_ = 	snop  }
0x6: {  	_ = 	snop  }
0x7: {  	_ = 	snop  }
__scs_overlays_trampoline_lowered:
0x8: {  	[smem:$0x3FAA] =	sst s0  }
0x9: {  	[smem:$0x3FAB] =	sst s1  }
0xa: {  	[smem:$0x3FAC] =	sst s2  }
0xb: {  	[smem:$0x3FAD] =	sst s3  }
0xc: {  	[smem:$0x3FAE] =	sst s4  }
0xd: {  	[smem:$0x3FAF] =	sst s5  }
0xe: {  	[smem:$0x3FB0] =	sst s6  }
0xf: {  	[smem:$0x3FB1] =	sst s7  }
0x10: {  	[smem:$0x3FB2] =	sst s8  }
0x11: {  	[smem:$0x3FB3] =	sst s9;
	s0 =	simm.s32 @!p0 $0x0  }
0x12: {  	s1 =	sld [smem:$0x3F99];
	s0 =	simm.s32 @p0 $0x1  }
0x13: {  	[smem:$0x3FB4] =	sst s0;
	s0 =	simm.s32 @!p1 $0x0  }
0x14: {  	s2 =	sld [smem:$0x3F98];
	s0 =	simm.s32 @p1 $0x1  }
0x15: {  	[smem:$0x3FB5] =	sst s0;
	s0 =	simm.s32 @!p2 $0x0  }
0x16: {  	s3 =	sld [smem:$0x3FDB];
	s0 =	simm.s32 @p2 $0x1  }
0x17: {  	s4 =	simm.s32 $0x1BF5;
	[smem:$0x3FB7] =	sst s0  }
0x18: {  	s0 =	sld [smem:$0x3F9A];
	_ =	swait.ge [sflag:s4], $0x0  }
0x19: {  	s7 =	sld [smem:$0x3F9B]  }
0x1a: {  	s8 =	sadd.s32 $0xFFFFE003, lr  }
0x1b: {  	s9 =	sadd.s32 $0xFFFFFEF7, lr;
	s5 =	simm.s32 $0xFFFFFFFF;
	p2 =	slt.u32 s8, $0xFFFFF086  }
0x1c: {  	p1 =	slt.u32 s9, $0xF7A;
	s5 =	simm.s32 @!p2 $0x0  }
0x1d: {  	s5 =	simm.s32 @p1 $0x1;
	p0 =	seq.s32 s7, s2  }
0x1e: {  	s7 =	smul.u32 @!p0 $0xF7A, s2;
	p2 =	seq.s32 @!p0 s5, $0x0  }
0x1f: {  	s9 =	smul.u32 $0xF7A, s1;
	s8 =	simm.s32 @!p0 $0x1BF5;
	p2 =	por !p2, p0  }
0x20: {  	[sflag:s8] =	ssyncset.s32 @!p0 $0xFFFFF086;
	s6 =	sadd.s32 @!p0 s3, s7;
	s7 =	simm.s32 @!p0 $0x108  }
0x21: {  	s3 =	sadd.s32 s3, s9;
	s6 =	sadd.s32 @!p0 $0x88, s6;
	s7 =	simm.s32 @p2 $0x1082  }
0x22: {  	[simem:s7], [sflag:s8] =	dma.local @!p0 [hbm:s6], $0xF7A  }
0x23: {  	s9 =	sor.u32 $0xD0000000, s2;
	s6 =	simm.s32 $0x108;
	_ =	swait.ge @!p0 [sflag:s8], $0x0  }
0x24: {  	s3 =	sadd.s32 $0x88, s3;
	s6 =	simm.s32 @!p1 $0x1082;
	[sflag:s4] =	ssyncset.s32 $0xFFFFF086  }
0x25: {  	[simem:s6], [sflag:s4] =	dma.local [hbm:s3], $0xF7A  }
0x26: {  	[smem:$0x3F9B] =	sst s1;
	(tag) =	ssettag s2;
	_ =	strace s9  }
0x27: {  	s1 =	sld [smem:$0x3FAB]  }
0x28: {  	s2 =	sld [smem:$0x3FAC]  }
0x29: {  	s4 =	sld [smem:$0x3FAE]  }
0x2a: {  	p0 =	seq.s32 s5, $0x0;
	s5 =	sld [smem:$0x3FAF]  }
0x2b: {  	s6 =	sld [smem:$0x3FB0]  }
0x2c: {  	s7 =	sld [smem:$0x3FB1]  }
0x2d: {  	s3 =	simm.s32 $0x108;
	s8 =	sld [smem:$0x3FB2]  }
0x2e: {  	s3 =	simm.s32 @!p0 $0x1082;
	s9 =	sld [smem:$0x3FB3]  }
0x2f: {  	lr =	sadd.s32 s0, s3;
	s0 =	sld [smem:$0x3FAA]  }
0x30: {  	s3 =	sld [smem:$0x3FAD]  }
0x31: {  	[smem:$0x3FB6] =	sst s10  }
0x32: {  	s10 =	sld [smem:$0x3FB4];
	_ =	sdelay $0x3  }
0x33: {  	p0 =	seq.s32 s10, $0x1;
	s10 =	sld [smem:$0x3FB6];
	_ =	sdelay $0x3  }
0x34: {  	[smem:$0x3FB6] =	sst s10  }
0x35: {  	s10 =	sld [smem:$0x3FB5];
	_ =	sdelay $0x3  }
0x36: {  	p1 =	seq.s32 s10, $0x1;
	s10 =	sld [smem:$0x3FB6];
	_ =	sdelay $0x3  }
0x37: {  	[smem:$0x3FB6] =	sst s10  }
0x38: {  	s10 =	sld [smem:$0x3FB7]  }
0x39: {  	_ = 	snop;
	(pc) =	sbr.ind lr, $3  }
0x3a: {  	_ = 	snop  }
0x3b: {  	_ = 	snop  }
0x3c: {  	p2 =	seq.s32 s10, $0x1;
	s10 =	sld [smem:$0x3FB6]  }
0x3d: {  	_ =	shalt  }
0x3e: {  	_ =	shalt  }
0x3f: {  	_ =	shalt  }
0x40: {  	_ =	shalt  }
0x41: {  	_ =	shalt  }
0x42: {  	_ =	shalt  }
0x43: {  	_ =	shalt  }
0x44: {  	_ =	shalt  }
0x45: {  	_ =	shalt  }
0x46: {  	_ =	shalt  }
0x47: {  	_ =	shalt  }
0x48: {  	_ =	shalt  }
0x49: {  	_ =	shalt  }
0x4a: {  	_ =	shalt  }
0x4b: {  	_ =	shalt  }
0x4c: {  	_ =	shalt  }
0x4d: {  	_ =	shalt  }
0x4e: {  	_ =	shalt  }
0x4f: {  	_ =	shalt  }
0x50: {  	_ =	shalt  }
0x51: {  	_ =	shalt  }
0x52: {  	_ =	shalt  }
0x53: {  	_ =	shalt  }
0x54: {  	_ =	shalt  }
0x55: {  	_ =	shalt  }
0x56: {  	_ =	shalt  }
0x57: {  	_ =	shalt  }
0x58: {  	_ =	shalt  }
0x59: {  	_ =	shalt  }
0x5a: {  	_ =	shalt  }
0x5b: {  	_ =	shalt  }
0x5c: {  	_ =	shalt  }
0x5d: {  	_ =	shalt  }
0x5e: {  	_ =	shalt  }
0x5f: {  	_ =	shalt  }
0x60: {  	_ =	shalt  }
0x61: {  	_ =	shalt  }
0x62: {  	_ =	shalt  }
0x63: {  	_ =	shalt  }
0x64: {  	_ =	shalt  }
0x65: {  	_ =	shalt  }
0x66: {  	_ =	shalt  }
0x67: {  	_ =	shalt  }
0x68: {  	_ =	shalt  }
0x69: {  	_ =	shalt  }
0x6a: {  	_ =	shalt  }
0x6b: {  	_ =	shalt  }
0x6c: {  	_ =	shalt  }
0x6d: {  	_ =	shalt  }
0x6e: {  	_ =	shalt  }
0x6f: {  	_ =	shalt  }
0x70: {  	_ =	shalt  }
0x71: {  	_ =	shalt  }
0x72: {  	_ =	shalt  }
0x73: {  	_ =	shalt  }
0x74: {  	_ =	shalt  }
0x75: {  	_ =	shalt  }
0x76: {  	_ =	shalt  }
0x77: {  	_ =	shalt  }
0x78: {  	_ =	shalt  }
0x79: {  	_ =	shalt  }
0x7a: {  	_ =	shalt  }
0x7b: {  	_ =	shalt  }
0x7c: {  	_ =	shalt  }
0x7d: {  	_ =	shalt  }
0x7e: {  	_ =	shalt  }
0x7f: {  	_ =	shalt  }
0x80: {  	_ =	shalt  }
0x81: {  	_ =	shalt  }
0x82: {  	_ =	shalt  }
0x83: {  	_ =	shalt  }
0x84: {  	_ =	shalt  }
0x85: {  	_ =	shalt  }
0x86: {  	_ =	shalt  }
0x87: {  	_ =	shalt  }
.Lfunc_end0:
.L_simem_size_0:
called_computation_lowered:
.L_overlay_start_0:
0x88: {  	s2 =	sld [smem:$0x3FD9]  }
0x89: {  	s3 =	sld [smem:$0x3FFE];
	_ =	sdelay $0x1  }
0x8a: {  	s1 =	srdreg.scid  }
0x8b: {  	s0 =	sand.u32 $0x1, s1  }
0x8c: {  	s17 =	sshll.u32 s0, $0xA;
	s2 =	sadd.s32 s3, s2  }
0x8d: {  	s2 =	sadd.s32 s2, s17  }
0x8e: {  	[smem:$0x3FC2] =	sst s2  }
0x8f: {  	_ = 	snop  }
0x90: {  	s2 =	sld [smem:$0x3FD0];
	(tm) =	ssettm $0x1  }
0x91: {  	s18 =	sld [smem:$0x3FFB];
	_ =	sdelay $0x3  }
0x92: {  	_ =	strace s18  }
0x93: {  	s3 =	sld [smem:$0x3FFC];
	_ =	sdelay $0x3  }
0x94: {  	_ =	strace s3  }
0x95: {  	s3 =	sld [smem:$0x3FFD];
	_ =	sdelay $0x3  }
0x96: {  	_ =	strace s3  }
0x97: {  	_ =	strace $0x8FFFFFFF  }
0x98: {  	s19 =	sld [smem:$0x3FDB];
	_ =	sdelay $0x1  }
0x99: {  	s4 =	simm.s32 $_scs_section_size  }
0x9a: {  	s5 =	simm.s32 $_size__tile_overlayer_lowered;
	s6 =	simm.s32 $_tile_overlayer_lowered  }
0x9b: {  	s22 =	simm.s32 $0x1BFF;
	s21 =	sshll.u32 s6, $0x1;
	s3 =	sadd.s32 s4, s19  }
0x9c: {  	s7 =	simm.s32 $0x0;
	s20 =	sshll.u32 s5, $0x1;
	s5 =	sadd.s32 s21, s3  }
0x9d: {  	[timem:s7], [sflag:s22] =	dma.local [hbm:s5], s20  }
0x9e: {  	_ =	swait.ge [sflag:s22], s20  }
0x9f: {  	s4 =	ssub.s32 $0x0, s20;
	[sflag:s22] =	ssyncset.done $0x0  }
0xa0: {  	[sflag:s22] =	ssyncadd.s32 s4;
	_ =	sdelay $0x1  }
0xa1: {  	s23 =	simm.s32 $0x1B8B  }
0xa2: {  	_ =	swait.ge [sflag:s23], $0x1  }
0xa3: {  	[sflag:s23] =	ssyncset.done $0x0  }
0xa4: {  	s25 =	simm.s32 $0x1B8E;
	s24 =	sld [smem:$0x3FFE];
	[sflag:s23] =	ssyncadd.s32 $0xFFFFFFFF  }
0xa5: {  	s26 =	simm.s32 $execute0_lowered;
	[smem:$0x3FD2] =	sst s25  }
0xa6: {  	s5 =	sshll.u32 s26, $0x1;
	_ =	strace $0x80000046;
	[dreg:$0x1] =	wrdreg $0xFFFFFFFF  }
0xa7: {  	s28 =	simm.s32 $_size_execute0_lowered;
	s3 =	sadd.s32 s3, s5;
	[dreg:$0x0] =	wrdreg $0x0  }
0xa8: {  	s5 =	sshll.u32 s28, $0x1;
	[dreg:$0x2] =	wrdreg s3  }
0xa9: {  	[dreg:$0x3] =	wrdreg s5  }
0xaa: {  	[dreg:$0x4] =	wrdreg $0xC0  }
0xab: {  	_ =	task [dreg:s7], $0x5FFFF  }
0xac: {  	[dreg:$0x1] =	wrdreg $0xFFFFFFFF  }
0xad: {  	[dreg:$0x0] =	wrdreg $0x60  }
0xae: {  	[dreg:$0x2] =	wrdreg s24  }
0xaf: {  	[dreg:$0x3] =	wrdreg s2  }
0xb0: {  	[dreg:$0x4] =	wrdreg $0x9  }
0xb1: {  	_ =	task.clear_ibuf [dreg:s7], $0x5FFFF;
	_ =	strace $0x90000046  }
0xb2: {  	s29 =	simm.s32 $0x9;
	_ =	strace $0x80000048  }
0xb3: {  	_ =	swait.ge [sflag:s29], $0x1  }
0xb4: {  	[sflag:s29] =	ssyncadd.s32 $0xFFFFFFFF  }
0xb5: {  	_ =	strace $0x90000048  }
0xb6: {  	_ =	sfence  }
0xb7: {  	s30 =	sld [smem:$0x0];
	_ =	sdelay $0x2  }
0xb8: {  	s31 =	sshll.u32 s1, $0xD;
	s1 =	sshrl.u32 s1, $0x2  }
0xb9: {  	s3 =	sand.u32 $0x4000, s31;
	s1 =	sadd.s32 s1, s30  }
0xba: {  	s0 =	sor.u32 s3, s0;
	s1 =	sshll.u32 s1, $0x11  }
0xbb: {  	s0 =	sor.u32 s1, s0  }
0xbc: {  	s0 =	sadd.s32 $0x8F2B, s0  }
0xbd: {  	[sflag:s0] =	ssyncadd.remote.s32 $0x1  }
0xbe: {  	_ =	sfence.sel $0xFFFF  }
0xbf: {  	[dreg:$0x0] =	wrdreg $0xFFFFFFFF;
	(pc) =	sbr.abs _section_cstart, $3  }
0xc0: {  	[dreg:$0x1] =	wrdreg $0xFFFFFFFF  }
0xc1: {  	_ =	task.clear_ibuf [dreg:s7], $0x2FFFF;
	_ =	strace $0x9FFFFFFF  }
0xc2: {  	(tm) =	ssettm $0x7FFFFFFF  }
0xc3: {  	_ =	shalt  }
tec
execute0_lowered:
.L_overlay_start_1:
0x0: {  	(tag) =	ssettag $0x1  }
0x1: {  	s0 =	srdreg.scid;
	s3 =	rddreg [dreg:$0x0]  }
0x2: {  	s5 =	rddreg [dreg:$0x1];
	s1 =	stileid.u32  }
0x3: {  	s9 =	simm.s32 $0x80;
	s10 =	simm.s32 $0x400;
	s4 =	sand.u32 $0x1, s0  }
0x4: {  	s11 =	simm.s32 $0x0;
	s8 =	sshll.u32 s1, $0x7;
	s2 =	sshll.u32 s4, $0x4  }
0x5: {  	s0 =	rddreg [dreg:$0x2];
	s8 =	sand.u32 $0x380, s8;
	s6 =	sor.u32 s1, s2  }
0x6: {  	s2 =	simm.s32 $0x0;
	s7 =	smul.u32 $0x4F0, s6;
	s6 =	sshrl.u32 s6, $0x3  }
0x7: {  	s4 =	ssub.s32 $0x2, s4;
	[smem:$0x7FF] =	sst s2;
	s6 =	smul.u32 $0x14000, s6  }
0x8: {  	s31 =	sshrl.u32 s4, $0x1;
	_ =	strace $0x80000047;
	s7 =	sadd.s32 s7, s3  }
0x9: {  	s3 =	sadd.s32 $0xC400, s3;
	s6 =	sor.u32 s8, s6;
	s8 =	ssub.s32 s4, s31  }
0xa: {  	s4 =	sadd.s32 $0x2600, s7;
	s7 =	simm.s32 $0x1;
	s6 =	sshrl.u32 s6, $0x3  }
0xb: {  	v0 =	vimm.f32 $1.000000000e+00;
	s5 =	sadd.s32 s5, s6;
	s6 =	smax.u32 s8, $0x1;
	s8 =	simm.s32 $0x2800  }
.LBB2_1:
0xc: {  	[tilespmem:s2], [sflag:$0x1] =	stream.linear.gather [hbm4b:s3+s2], $0x2800, $0x38;
	[tilespmem:$0x4F80] =	vst v63  }
0xd: {  	_ =	swait.ge [sflag:s7], $0x2800  }
0xe: {  	[sflag:s7] =	ssyncset.done $0x0  }
0xf: {  	[sflag:s7] =	ssyncadd.s32 $0xFFFFD800  }
0x10: {  	[tilespmem:s8], [sflag:$0x1] =	stream.linear.gather [hbm4b:s4+s2], $0x2780, $0x38;
	[tilespmem:$0x4F80] =	vst v63  }
0x11: {  	_ =	swait.ge [sflag:s7], $0x2780  }
0x12: {  	[sflag:s7] =	ssyncset.done $0x0  }
0x13: {  	s13 =	simm.s32 $0x0;
	s12 =	simm.s32 $0x40;
	[sflag:s7] =	ssyncadd.s32 $0xFFFFD880  }
.LBB2_2:
0x14: {  	p0 =	sne.s32 s12, $0x9DC0;
	v1 =	vld [tilespmem:s13+$0x2800];
	_ =	sdelay $0x3  }
.Ltmp0:
0x15: {  	(pc) =	sbr.rel @p0 .LBB2_2-.Ltmp0, $2  }
0x16: {  	_ =	sdelay $0x2  }
0x17: {  	s13 =	sshra.s32 s12, $0x2;
	s12 =	sadd.s32 $0x40, s12;
	[tilespmem:v1+s2+$0x0] =	vst.idx.add.f32.msk $0xffff, v0  }
0x18: {  	v1 =	vld [tilespmem:s13+$0x2800];
	_ =	sdelay $0x5  }
0x19: {  	s11 =	sadd.s32 $0x1, s11  }
0x1a: {  	p0 =	sne.s32 s11, s6  }
.Ltmp1:
0x1b: {  	[tilespmem:v1+s2+$0x0] =	vst.idx.add.f32.msk $0xffff, v0;
	(pc) =	sbr.rel @p0 .LBB2_1-.Ltmp1, $4  }
0x1c: {  	[hbm4b:s5+s9] =	stream.strided.scatter [tilespmem:s2], [sflag:$0x1], $0x2800, s10, s9, $0x38;
	[tilespmem:$0x4F80] =	vst v63  }
0x1d: {  	_ =	swait.ge [sflag:s7], $0x2800  }
0x1e: {  	[sflag:s7] =	ssyncset.done $0x0  }
0x1f: {  	[sflag:s7] =	ssyncadd.s32 $0xFFFFD800  }
0x20: {  	_ =	sfence.sel $0x180000  }
0x21: {  	[bflag:$0x0] =	sbarrier.arrive $0xFFFF  }
0x22: {  	p0 =	sne.s32 s1, $0x0;
	_ =	strace $0x90000047  }
0x23: {  	s0 =	sadd.s32 @!p0 $0x100000, s0;
	[bflag:$0x2] =	sbarrier.arrive $0xFFFF  }
0x24: {  	[sflag:s0] =	ssyncadd.tile.s32 @!p0 $0x1;
	_ =	shalt  }
.Lfunc_end2:
_tile_overlayer_lowered:
.L_overlay_start_2:
0x25: {  	(tag) =	ssettag $0x2  }
0x26: {  	s0 =	rddreg [dreg:$0x0];
	s2 =	stileid.u32  }
0x27: {  	s1 =	rddreg [dreg:$0x1];
	p0 =	sne.s32 s2, $0x0  }
0x28: {  	s3 =	rddreg [dreg:$0x2];
	[bflag:$0x3] =	sbarrier.arrive $0xFFFF;
	s2 =	simm.s32 @!p0 $0x1C01  }
0x29: {  	[timem:s3], [sflag:s2] =	dma.local @!p0 [hbm:s0], s1  }
0x2a: {  	s0 =	simm.s32 @!p0 $0x1  }
0x2b: {  	_ =	swait.ge @!p0 [sflag:s0], s1  }
0x2c: {  	s1 =	ssub.s32 @!p0 $0x0, s1;
	[sflag:s0] =	ssyncset.done @!p0 $0x0  }
0x2d: {  	[sflag:s0] =	ssyncadd.s32 @!p0 s1  }
0x2e: {  	[bflag:$0x3] =	sbarrier.arrive $0xFFFF  }
0x2f: {  	_ =	shalt  }

</sc_bundles>
